<compile_context>
chip_gen: v7x
topology: tpu7x:2x2x1
jax: 0.10.2.dev20260603
libtpu: 0.0.44.dev20260713+nightly
codegen_flags: <defaults>
</compile_context>

<pallas_src>
import functools

import jax
import jax.numpy as jnp
from jax import lax
from jax.experimental import pallas as pl
from jax.experimental.pallas import tpu as pltpu
from jax.experimental.pallas import tpu_sc as plsc

_NEG = float("-inf")
_BIG = 1 << 30
NCAND = 128


def _rowmax_body(x_ref, bm_ref):
    bm_ref[...] = jnp.max(x_ref[...], axis=2)[:, None, :]


def _extract_topk(x, n_iter, vals0, pos0):
    B, L = x.shape
    iota = lax.broadcasted_iota(jnp.int32, (B, L), 1)
    slot = lax.broadcasted_iota(jnp.int32, (B, NCAND), 1)

    def step(it, carry):
        x_c, vals, pos = carry
        m = jnp.max(x_c, axis=1, keepdims=True)
        p = jnp.min(jnp.where(x_c == m, iota, _BIG), axis=1, keepdims=True)
        vals = jnp.where(slot == it, m, vals)
        pos = jnp.where(slot == it, p, pos)
        x_c = jnp.where(iota == p, _NEG, x_c)
        return x_c, vals, pos

    return lax.fori_loop(0, n_iter, step, (x, vals0, pos0))


def _select_body(n_iter, x_ref, vals_ref, pos_ref):
    x = x_ref[...]
    B = x.shape[0]
    vals0 = jnp.full((B, NCAND), _NEG, jnp.float32)
    pos0 = jnp.zeros((B, NCAND), jnp.int32)
    _, vals, pos = _extract_topk(x, n_iter, vals0, pos0)
    vals_ref[...] = vals
    pos_ref[...] = pos


def _final_body(n_iter, N, C, x_ref, bids_ref, vals_ref, pos_ref, gr_ref, gm_ref):
    x = x_ref[...]
    B = x.shape[0]
    vals0 = jnp.full((B, NCAND), _NEG, jnp.float32)
    pos0 = jnp.zeros((B, NCAND), jnp.int32)
    _, vals, pos = _extract_topk(x, n_iter, vals0, pos0)
    vals_ref[...] = vals
    pos_ref[...] = pos
    cand = pos // C
    bids = bids_ref[...]
    jj = lax.broadcasted_iota(jnp.int32, (B, NCAND, NCAND), 2)
    onehot = (cand[:, :, None] == jj).astype(jnp.int32)
    box_id = jnp.sum(onehot * bids[:, None, :], axis=2)
    row = lax.broadcasted_iota(jnp.int32, (B, NCAND), 0)
    gid = box_id + row * N
    gr = gid // 32
    gr_ref[...] = gr
    gm_ref[...] = (gid - gr * 32) * 4


def _topk_rows(x, n_iter):
    B, L = x.shape
    return pl.pallas_call(
        functools.partial(_select_body, n_iter),
        in_specs=[pl.BlockSpec((B, L), lambda: (0, 0))],
        out_specs=[
            pl.BlockSpec((B, NCAND), lambda: (0, 0)),
            pl.BlockSpec((B, NCAND), lambda: (0, 0)),
        ],
        out_shape=[
            jax.ShapeDtypeStruct((B, NCAND), jnp.float32),
            jax.ShapeDtypeStruct((B, NCAND), jnp.int32),
        ],
    )(x)


def _sc_postprocess(vals, pos, gr, bbox128, n_img, per_img, C):
    total = n_img * per_img
    per_w = total // 32

    @functools.partial(
        pl.kernel,
        mesh=plsc.VectorSubcoreMesh(core_axis_name="c", subcore_axis_name="s"),
        out_type=[
            jax.ShapeDtypeStruct((total,), jnp.float32),
            jax.ShapeDtypeStruct((total,), jnp.int32),
            jax.ShapeDtypeStruct((total, 128), jnp.float32),
        ],
        scratch_types=[
            pltpu.VMEM((per_w,), jnp.float32),
            pltpu.VMEM((per_w,), jnp.int32),
            pltpu.VMEM((per_w,), jnp.int32),
            pltpu.VMEM((per_w,), jnp.float32),
            pltpu.VMEM((per_w,), jnp.int32),
            pltpu.VMEM((per_w, 128), jnp.float32),
            pltpu.SemaphoreType.DMA,
        ],
    )
    def k(vals_hbm, pos_hbm, gr_hbm, bbox_hbm, sc_hbm, lb_hbm, st_hbm,
          vv, pp, grv, sc_v, lb_v, br, sem):
        wid = lax.axis_index("s") * 2 + lax.axis_index("c")
        base = wid * per_w
        pltpu.sync_copy(vals_hbm.at[pl.ds(base, per_w)], vv)
        pltpu.sync_copy(pos_hbm.at[pl.ds(base, per_w)], pp)
        pltpu.sync_copy(gr_hbm.at[pl.ds(base, per_w)], grv)
        for c in range(per_w // 16):
            sl = pl.ds(c * 16, 16)
            p = pp[sl]
            cand = lax.div(p, jnp.int32(C))
            lb_v[sl] = p - cand * C
            v = vv[sl]
            sc_v[sl] = 1.0 / (1.0 + jnp.exp(-v))
        pltpu.async_copy(bbox_hbm.at[grv], br, sem).wait()
        pltpu.sync_copy(sc_v, sc_hbm.at[pl.ds(base, per_w)])
        pltpu.sync_copy(lb_v, lb_hbm.at[pl.ds(base, per_w)])
        pltpu.sync_copy(br, st_hbm.at[pl.ds(base, per_w)])

    return k(vals, pos, gr, bbox128)


def _boxes_body(st_ref, gm_ref, scale_ref, out_ref):
    st = st_ref[...]
    gmv = gm_ref[...]
    sc = scale_ref[...]
    col = lax.broadcasted_iota(jnp.int32, st.shape, 1)
    x_c = jnp.sum(jnp.where(col == gmv, st, 0.0), axis=1)
    y_c = jnp.sum(jnp.where(col == gmv + 1, st, 0.0), axis=1)
    w = jnp.sum(jnp.where(col == gmv + 2, st, 0.0), axis=1)
    h = jnp.sum(jnp.where(col == gmv + 3, st, 0.0), axis=1)
    out_ref[...] = jnp.stack(
        [x_c - 0.5 * w, y_c - 0.5 * h, x_c + 0.5 * w, y_c + 0.5 * h], axis=1
    ) * sc


def kernel(out_logits, out_bbox, target_sizes):
    B, N, C = out_logits.shape

    bm = pl.pallas_call(
        _rowmax_body,
        grid=(B,),
        in_specs=[pl.BlockSpec((1, N, C), lambda b: (b, 0, 0))],
        out_specs=pl.BlockSpec((1, 1, N), lambda b: (b, 0, 0)),
        out_shape=jax.ShapeDtypeStruct((B, 1, N), jnp.float32),
    )(out_logits)
    bm = bm.reshape(B, N)

    _, bids = _topk_rows(bm, NCAND)
    bids = jnp.sort(bids, axis=1)

    g = jnp.take_along_axis(out_logits, bids[:, :, None], axis=1)

    vals, pos, gr, gm = pl.pallas_call(
        functools.partial(_final_body, 100, N, C),
        in_specs=[
            pl.BlockSpec((B, NCAND * C), lambda: (0, 0)),
            pl.BlockSpec((B, NCAND), lambda: (0, 0)),
        ],
        out_specs=[pl.BlockSpec((B, NCAND), lambda: (0, 0))] * 4,
        out_shape=[
            jax.ShapeDtypeStruct((B, NCAND), jnp.float32),
            jax.ShapeDtypeStruct((B, NCAND), jnp.int32),
            jax.ShapeDtypeStruct((B, NCAND), jnp.int32),
            jax.ShapeDtypeStruct((B, NCAND), jnp.int32),
        ],
    )(g.reshape(B, NCAND * C), bids)

    scores, labels, staged = _sc_postprocess(
        vals.reshape(-1), pos.reshape(-1), gr.reshape(-1),
        out_bbox.reshape(B * N * 4 // 128, 128), B, NCAND, C
    )

    img_h = target_sizes[:, 0].astype(jnp.float32)
    img_w = target_sizes[:, 1].astype(jnp.float32)
    scale = jnp.stack([img_w, img_h, img_w, img_h], axis=1)
    scale_rep = jnp.repeat(scale, NCAND, axis=0)
    T = B * NCAND
    boxes = pl.pallas_call(
        _boxes_body,
        in_specs=[
            pl.BlockSpec((T, 128), lambda: (0, 0)),
            pl.BlockSpec((T, 1), lambda: (0, 0)),
            pl.BlockSpec((T, 4), lambda: (0, 0)),
        ],
        out_specs=pl.BlockSpec((T, 4), lambda: (0, 0)),
        out_shape=jax.ShapeDtypeStruct((T, 4), jnp.float32),
    )(staged, gm.reshape(T, 1), scale_rep)

    scores = scores.reshape(B, NCAND)[:, :100]
    labels = labels.reshape(B, NCAND)[:, :100]
    boxes = boxes.reshape(B, NCAND, 4)[:, :100]
    return scores, labels, boxes

# --- scband reference (transcript-rebuilt; emitter-appended) ---
"""Pipeline reference for scband-post-process-55336358641780 (READ-ONLY COPY).

The authoritative reference and input builder live on the scoring server;
editing this copy changes nothing except your own understanding.
"""

import jax, jax.numpy as jnp
import numpy as np


def box_cxcywh_to_xyxy(x):
    x_c = x[..., 0]
    y_c = x[..., 1]
    w = x[..., 2]
    h = x[..., 3]
    return jnp.stack([x_c - 0.5 * w, y_c - 0.5 * h, x_c + 0.5 * w, y_c + 0.5 * h], axis=-1)


def setup_inputs(seed: int = 0) -> dict:
    key = jax.random.key(seed)
    k1, k2, k3 = jax.random.split(key, 3)
    out_logits = jax.random.normal(k1, (16, 20000, 91), dtype=jnp.float32)
    out_bbox = jax.random.uniform(k2, (16, 20000, 4), dtype=jnp.float32)
    target_sizes = jax.random.randint(k3, (16, 2), 0, 1333).astype(jnp.int32)
    return {"out_logits": out_logits, "out_bbox": out_bbox, "target_sizes": target_sizes}


def reference(out_logits, out_bbox, target_sizes):
    assert out_logits.shape[0] == target_sizes.shape[0]
    assert target_sizes.shape[1] == 2
    B = out_logits.shape[0]
    C = out_logits.shape[2]
    prob = jax.nn.sigmoid(out_logits)
    flat = prob.reshape(B, -1)
    topk_values, topk_indexes = jax.lax.top_k(flat, 100)
    scores = topk_values
    topk_boxes = topk_indexes // C
    labels = topk_indexes % C
    boxes = box_cxcywh_to_xyxy(out_bbox)
    idx = jnp.repeat(topk_boxes[:, :, None], 4, axis=2)
    boxes = jnp.take_along_axis(boxes, idx, axis=1)
    img_h = target_sizes[:, 0].astype(jnp.float32)
    img_w = target_sizes[:, 1].astype(jnp.float32)
    scale_fct = jnp.stack([img_w, img_h, img_w, img_h], axis=1)
    boxes = boxes * scale_fct[:, None, :]
    return scores, labels, boxes

if __name__ == "__main__":
    import jax
    _d = setup_inputs()
    print(jax.jit(kernel)(*tuple(_d.values())))

</pallas_src>

<mosaic_0001>
#map = affine_map<(d0, d1) -> (0)>
#map1 = affine_map<(d0, d1) -> (0, 0)>
module attributes {stable_mosaic.version = 14 : i64} {
  func.func @k(%arg0: i32, %arg1: i32, %arg2: memref<2048xf32, #tpu.memory_space<hbm>>, %arg3: memref<2048xi32, #tpu.memory_space<hbm>>, %arg4: memref<2048xi32, #tpu.memory_space<hbm>>, %arg5: memref<10000x128xf32, #tpu.memory_space<hbm>>, %arg6: memref<2048xf32, #tpu.memory_space<hbm>>, %arg7: memref<2048xi32, #tpu.memory_space<hbm>>, %arg8: memref<2048x128xf32, #tpu.memory_space<hbm>>, %arg9: memref<64xf32, #tpu.memory_space<vmem>>, %arg10: memref<64xi32, #tpu.memory_space<vmem>>, %arg11: memref<64xi32, #tpu.memory_space<vmem>>, %arg12: memref<64xf32, #tpu.memory_space<vmem>>, %arg13: memref<64xi32, #tpu.memory_space<vmem>>, %arg14: memref<64x128xf32, #tpu.memory_space<vmem>>, %arg15: memref<!tpu.dma_semaphore, #tpu.memory_space<semaphore_mem>>) attributes {dimension_semantics = [#tpu.dimension_semantics<core_parallel>, #tpu.dimension_semantics<subcore_parallel>], iteration_bounds = array<i64: 2, 16>, scalar_prefetch = 0 : i64, scratch_operands = 7 : i64, tpu.core_type = #tpu.core_type<sc_vector_subcore>, window_params = [{transform_indices = #map}, {transform_indices = #map}, {transform_indices = #map}, {transform_indices = #map1}, {transform_indices = #map}, {transform_indices = #map}, {transform_indices = #map1}]} {
    %mul3A = arith.constant 2 : i32
    %mul3A_0 = arith.muli %arg1, %mul3A : i32
    %add3A = arith.addi %mul3A_0, %arg0 : i32
    %mul3A_1 = arith.constant 64 : i32
    %mul3A_2 = arith.muli %add3A, %mul3A_1 : i32
    "tpu.region"() ({
      %run_scoped3A = tpu.sem_alloc : memref<!tpu.dma_semaphore, #tpu.memory_space<semaphore_mem>>
      %dma_start3A_125 = tpu.memref_slice %arg2[%mul3A_2] : memref<2048xf32, #tpu.memory_space<hbm>> -> memref<64xf32, #tpu.memory_space<hbm>>
      %dma_start3A_126 = tpu.memref_slice %arg2[%mul3A_2] : memref<2048xf32, #tpu.memory_space<hbm>> -> memref<64xf32, #tpu.memory_space<hbm>>
      tpu.enqueue_dma source(%dma_start3A_126 : memref<64xf32, #tpu.memory_space<hbm>>) target(%arg9 : memref<64xf32, #tpu.memory_space<vmem>>) target_semaphore(%run_scoped3A : memref<!tpu.dma_semaphore, #tpu.memory_space<semaphore_mem>>)
      %dma_wait3A_127 = tpu.memref_slice %arg2[%mul3A_2] : memref<2048xf32, #tpu.memory_space<hbm>> -> memref<64xf32, #tpu.memory_space<hbm>>
      %dma_wait3A_128 = tpu.memref_slice %arg2[%mul3A_2] : memref<2048xf32, #tpu.memory_space<hbm>> -> memref<64xf32, #tpu.memory_space<hbm>>
      tpu.wait_dma2 semaphore(%run_scoped3A : memref<!tpu.dma_semaphore, #tpu.memory_space<semaphore_mem>>) src(%dma_wait3A_128 : memref<64xf32, #tpu.memory_space<hbm>>) dst(%arg9 : memref<64xf32, #tpu.memory_space<vmem>>)
      tpu.yield
    }) : () -> ()
    "tpu.region"() ({
      %run_scoped3A = tpu.sem_alloc : memref<!tpu.dma_semaphore, #tpu.memory_space<semaphore_mem>>
      %dma_start3A_125 = tpu.memref_slice %arg3[%mul3A_2] : memref<2048xi32, #tpu.memory_space<hbm>> -> memref<64xi32, #tpu.memory_space<hbm>>
      %dma_start3A_126 = tpu.memref_slice %arg3[%mul3A_2] : memref<2048xi32, #tpu.memory_space<hbm>> -> memref<64xi32, #tpu.memory_space<hbm>>
      tpu.enqueue_dma source(%dma_start3A_126 : memref<64xi32, #tpu.memory_space<hbm>>) target(%arg10 : memref<64xi32, #tpu.memory_space<vmem>>) target_semaphore(%run_scoped3A : memref<!tpu.dma_semaphore, #tpu.memory_space<semaphore_mem>>)
      %dma_wait3A_127 = tpu.memref_slice %arg3[%mul3A_2] : memref<2048xi32, #tpu.memory_space<hbm>> -> memref<64xi32, #tpu.memory_space<hbm>>
      %dma_wait3A_128 = tpu.memref_slice %arg3[%mul3A_2] : memref<2048xi32, #tpu.memory_space<hbm>> -> memref<64xi32, #tpu.memory_space<hbm>>
      tpu.wait_dma2 semaphore(%run_scoped3A : memref<!tpu.dma_semaphore, #tpu.memory_space<semaphore_mem>>) src(%dma_wait3A_128 : memref<64xi32, #tpu.memory_space<hbm>>) dst(%arg10 : memref<64xi32, #tpu.memory_space<vmem>>)
      tpu.yield
    }) : () -> ()
    "tpu.region"() ({
      %run_scoped3A = tpu.sem_alloc : memref<!tpu.dma_semaphore, #tpu.memory_space<semaphore_mem>>
      %dma_start3A_125 = tpu.memref_slice %arg4[%mul3A_2] : memref<2048xi32, #tpu.memory_space<hbm>> -> memref<64xi32, #tpu.memory_space<hbm>>
      %dma_start3A_126 = tpu.memref_slice %arg4[%mul3A_2] : memref<2048xi32, #tpu.memory_space<hbm>> -> memref<64xi32, #tpu.memory_space<hbm>>
      tpu.enqueue_dma source(%dma_start3A_126 : memref<64xi32, #tpu.memory_space<hbm>>) target(%arg11 : memref<64xi32, #tpu.memory_space<vmem>>) target_semaphore(%run_scoped3A : memref<!tpu.dma_semaphore, #tpu.memory_space<semaphore_mem>>)
      %dma_wait3A_127 = tpu.memref_slice %arg4[%mul3A_2] : memref<2048xi32, #tpu.memory_space<hbm>> -> memref<64xi32, #tpu.memory_space<hbm>>
      %dma_wait3A_128 = tpu.memref_slice %arg4[%mul3A_2] : memref<2048xi32, #tpu.memory_space<hbm>> -> memref<64xi32, #tpu.memory_space<hbm>>
      tpu.wait_dma2 semaphore(%run_scoped3A : memref<!tpu.dma_semaphore, #tpu.memory_space<semaphore_mem>>) src(%dma_wait3A_128 : memref<64xi32, #tpu.memory_space<hbm>>) dst(%arg11 : memref<64xi32, #tpu.memory_space<vmem>>)
      tpu.yield
    }) : () -> ()
    %get3A = arith.constant 0 : index
    %get3A_3 = tpu.vector_load %arg10[%get3A] {strides = array<i32>} : memref<64xi32, #tpu.memory_space<vmem>>, vector<16xi32>,
    %get3A_4 = vector.shape_cast %get3A_3 : vector<16xi32> to vector<16xi32>
    %div3A = arith.constant 91 : i32
    %div3A_5 = vector.broadcast %div3A : i32 to vector<16xi32>
    %div3A_6 = arith.divsi %get3A_4, %div3A_5 : vector<16xi32>
    %mul3A_7 = arith.constant 91 : i32
    %mul3A_8 = vector.broadcast %mul3A_7 : i32 to vector<16xi32>
    %mul3A_9 = arith.muli %div3A_6, %mul3A_8 : vector<16xi32>
    %sub3A = arith.subi %get3A_4, %mul3A_9 : vector<16xi32>
    %swap3A = arith.constant 0 : index
    %swap3A_10 = tpu.vector_load %arg13[%swap3A] {strides = array<i32>} : memref<64xi32, #tpu.memory_space<vmem>>, vector<16xi32>,
    %swap3A_11 = vector.shape_cast %swap3A_10 : vector<16xi32> to vector<16xi32>
    %swap3A_12 = vector.shape_cast %sub3A : vector<16xi32> to vector<16xi32>
    tpu.vector_store %arg13[%swap3A], %swap3A_12 {strides = array<i32>} : memref<64xi32, #tpu.memory_space<vmem>>, vector<16xi32>,
    %get3A_13 = arith.constant 0 : index
    %get3A_14 = tpu.vector_load %arg9[%get3A_13] {strides = array<i32>} : memref<64xf32, #tpu.memory_space<vmem>>, vector<16xf32>,
    %get3A_15 = vector.shape_cast %get3A_14 : vector<16xf32> to vector<16xf32>
    %neg3A = arith.constant 0.000000e+00 : f32
    %neg3A_16 = vector.broadcast %neg3A : f32 to vector<16xf32>
    %neg3A_17 = arith.subf %neg3A_16, %get3A_15 : vector<16xf32>
    %exp3A = math.exp %neg3A_17 : vector<16xf32>
    %add3A_18 = arith.constant 1.000000e+00 : f32
    %add3A_19 = vector.broadcast %add3A_18 : f32 to vector<16xf32>
    %add3A_20 = arith.addf %add3A_19, %exp3A : vector<16xf32>
    %div3A_21 = arith.constant 1.000000e+00 : f32
    %div3A_22 = vector.broadcast %div3A_21 : f32 to vector<16xf32>
    %div3A_23 = arith.divf %div3A_22, %add3A_20 : vector<16xf32>
    %swap3A_24 = arith.constant 0 : index
    %swap3A_25 = tpu.vector_load %arg12[%swap3A_24] {strides = array<i32>} : memref<64xf32, #tpu.memory_space<vmem>>, vector<16xf32>,
    %swap3A_26 = vector.shape_cast %swap3A_25 : vector<16xf32> to vector<16xf32>
    %swap3A_27 = vector.shape_cast %div3A_23 : vector<16xf32> to vector<16xf32>
    tpu.vector_store %arg12[%swap3A_24], %swap3A_27 {strides = array<i32>} : memref<64xf32, #tpu.memory_space<vmem>>, vector<16xf32>,
    %get3A_28 = arith.constant 16 : index
    %get3A_29 = tpu.vector_load %arg10[%get3A_28] {strides = array<i32>} : memref<64xi32, #tpu.memory_space<vmem>>, vector<16xi32>,
    %get3A_30 = vector.shape_cast %get3A_29 : vector<16xi32> to vector<16xi32>
    %div3A_31 = arith.constant 91 : i32
    %div3A_32 = vector.broadcast %div3A_31 : i32 to vector<16xi32>
    %div3A_33 = arith.divsi %get3A_30, %div3A_32 : vector<16xi32>
    %mul3A_34 = arith.constant 91 : i32
    %mul3A_35 = vector.broadcast %mul3A_34 : i32 to vector<16xi32>
    %mul3A_36 = arith.muli %div3A_33, %mul3A_35 : vector<16xi32>
    %sub3A_37 = arith.subi %get3A_30, %mul3A_36 : vector<16xi32>
    %swap3A_38 = arith.constant 16 : index
    %swap3A_39 = tpu.vector_load %arg13[%swap3A_38] {strides = array<i32>} : memref<64xi32, #tpu.memory_space<vmem>>, vector<16xi32>,
    %swap3A_40 = vector.shape_cast %swap3A_39 : vector<16xi32> to vector<16xi32>
    %swap3A_41 = vector.shape_cast %sub3A_37 : vector<16xi32> to vector<16xi32>
    tpu.vector_store %arg13[%swap3A_38], %swap3A_41 {strides = array<i32>} : memref<64xi32, #tpu.memory_space<vmem>>, vector<16xi32>,
    %get3A_42 = arith.constant 16 : index
    %get3A_43 = tpu.vector_load %arg9[%get3A_42] {strides = array<i32>} : memref<64xf32, #tpu.memory_space<vmem>>, vector<16xf32>,
    %get3A_44 = vector.shape_cast %get3A_43 : vector<16xf32> to vector<16xf32>
    %neg3A_45 = arith.constant 0.000000e+00 : f32
    %neg3A_46 = vector.broadcast %neg3A_45 : f32 to vector<16xf32>
    %neg3A_47 = arith.subf %neg3A_46, %get3A_44 : vector<16xf32>
    %exp3A_48 = math.exp %neg3A_47 : vector<16xf32>
    %add3A_49 = arith.constant 1.000000e+00 : f32
    %add3A_50 = vector.broadcast %add3A_49 : f32 to vector<16xf32>
    %add3A_51 = arith.addf %add3A_50, %exp3A_48 : vector<16xf32>
    %div3A_52 = arith.constant 1.000000e+00 : f32
    %div3A_53 = vector.broadcast %div3A_52 : f32 to vector<16xf32>
    %div3A_54 = arith.divf %div3A_53, %add3A_51 : vector<16xf32>
    %swap3A_55 = arith.constant 16 : index
    %swap3A_56 = tpu.vector_load %arg12[%swap3A_55] {strides = array<i32>} : memref<64xf32, #tpu.memory_space<vmem>>, vector<16xf32>,
    %swap3A_57 = vector.shape_cast %swap3A_56 : vector<16xf32> to vector<16xf32>
    %swap3A_58 = vector.shape_cast %div3A_54 : vector<16xf32> to vector<16xf32>
    tpu.vector_store %arg12[%swap3A_55], %swap3A_58 {strides = array<i32>} : memref<64xf32, #tpu.memory_space<vmem>>, vector<16xf32>,
    %get3A_59 = arith.constant 32 : index
    %get3A_60 = tpu.vector_load %arg10[%get3A_59] {strides = array<i32>} : memref<64xi32, #tpu.memory_space<vmem>>, vector<16xi32>,
    %get3A_61 = vector.shape_cast %get3A_60 : vector<16xi32> to vector<16xi32>
    %div3A_62 = arith.constant 91 : i32
    %div3A_63 = vector.broadcast %div3A_62 : i32 to vector<16xi32>
    %div3A_64 = arith.divsi %get3A_61, %div3A_63 : vector<16xi32>
    %mul3A_65 = arith.constant 91 : i32
    %mul3A_66 = vector.broadcast %mul3A_65 : i32 to vector<16xi32>
    %mul3A_67 = arith.muli %div3A_64, %mul3A_66 : vector<16xi32>
    %sub3A_68 = arith.subi %get3A_61, %mul3A_67 : vector<16xi32>
    %swap3A_69 = arith.constant 32 : index
    %swap3A_70 = tpu.vector_load %arg13[%swap3A_69] {strides = array<i32>} : memref<64xi32, #tpu.memory_space<vmem>>, vector<16xi32>,
    %swap3A_71 = vector.shape_cast %swap3A_70 : vector<16xi32> to vector<16xi32>
    %swap3A_72 = vector.shape_cast %sub3A_68 : vector<16xi32> to vector<16xi32>
    tpu.vector_store %arg13[%swap3A_69], %swap3A_72 {strides = array<i32>} : memref<64xi32, #tpu.memory_space<vmem>>, vector<16xi32>,
    %get3A_73 = arith.constant 32 : index
    %get3A_74 = tpu.vector_load %arg9[%get3A_73] {strides = array<i32>} : memref<64xf32, #tpu.memory_space<vmem>>, vector<16xf32>,
    %get3A_75 = vector.shape_cast %get3A_74 : vector<16xf32> to vector<16xf32>
    %neg3A_76 = arith.constant 0.000000e+00 : f32
    %neg3A_77 = vector.broadcast %neg3A_76 : f32 to vector<16xf32>
    %neg3A_78 = arith.subf %neg3A_77, %get3A_75 : vector<16xf32>
    %exp3A_79 = math.exp %neg3A_78 : vector<16xf32>
    %add3A_80 = arith.constant 1.000000e+00 : f32
    %add3A_81 = vector.broadcast %add3A_80 : f32 to vector<16xf32>
    %add3A_82 = arith.addf %add3A_81, %exp3A_79 : vector<16xf32>
    %div3A_83 = arith.constant 1.000000e+00 : f32
    %div3A_84 = vector.broadcast %div3A_83 : f32 to vector<16xf32>
    %div3A_85 = arith.divf %div3A_84, %add3A_82 : vector<16xf32>
    %swap3A_86 = arith.constant 32 : index
    %swap3A_87 = tpu.vector_load %arg12[%swap3A_86] {strides = array<i32>} : memref<64xf32, #tpu.memory_space<vmem>>, vector<16xf32>,
    %swap3A_88 = vector.shape_cast %swap3A_87 : vector<16xf32> to vector<16xf32>
    %swap3A_89 = vector.shape_cast %div3A_85 : vector<16xf32> to vector<16xf32>
    tpu.vector_store %arg12[%swap3A_86], %swap3A_89 {strides = array<i32>} : memref<64xf32, #tpu.memory_space<vmem>>, vector<16xf32>,
    %get3A_90 = arith.constant 48 : index
    %get3A_91 = tpu.vector_load %arg10[%get3A_90] {strides = array<i32>} : memref<64xi32, #tpu.memory_space<vmem>>, vector<16xi32>,
    %get3A_92 = vector.shape_cast %get3A_91 : vector<16xi32> to vector<16xi32>
    %div3A_93 = arith.constant 91 : i32
    %div3A_94 = vector.broadcast %div3A_93 : i32 to vector<16xi32>
    %div3A_95 = arith.divsi %get3A_92, %div3A_94 : vector<16xi32>
    %mul3A_96 = arith.constant 91 : i32
    %mul3A_97 = vector.broadcast %mul3A_96 : i32 to vector<16xi32>
    %mul3A_98 = arith.muli %div3A_95, %mul3A_97 : vector<16xi32>
    %sub3A_99 = arith.subi %get3A_92, %mul3A_98 : vector<16xi32>
    %swap3A_100 = arith.constant 48 : index
    %swap3A_101 = tpu.vector_load %arg13[%swap3A_100] {strides = array<i32>} : memref<64xi32, #tpu.memory_space<vmem>>, vector<16xi32>,
    %swap3A_102 = vector.shape_cast %swap3A_101 : vector<16xi32> to vector<16xi32>
    %swap3A_103 = vector.shape_cast %sub3A_99 : vector<16xi32> to vector<16xi32>
    tpu.vector_store %arg13[%swap3A_100], %swap3A_103 {strides = array<i32>} : memref<64xi32, #tpu.memory_space<vmem>>, vector<16xi32>,
    %get3A_104 = arith.constant 48 : index
    %get3A_105 = tpu.vector_load %arg9[%get3A_104] {strides = array<i32>} : memref<64xf32, #tpu.memory_space<vmem>>, vector<16xf32>,
    %get3A_106 = vector.shape_cast %get3A_105 : vector<16xf32> to vector<16xf32>
    %neg3A_107 = arith.constant 0.000000e+00 : f32
    %neg3A_108 = vector.broadcast %neg3A_107 : f32 to vector<16xf32>
    %neg3A_109 = arith.subf %neg3A_108, %get3A_106 : vector<16xf32>
    %exp3A_110 = math.exp %neg3A_109 : vector<16xf32>
    %add3A_111 = arith.constant 1.000000e+00 : f32
    %add3A_112 = vector.broadcast %add3A_111 : f32 to vector<16xf32>
    %add3A_113 = arith.addf %add3A_112, %exp3A_110 : vector<16xf32>
    %div3A_114 = arith.constant 1.000000e+00 : f32
    %div3A_115 = vector.broadcast %div3A_114 : f32 to vector<16xf32>
    %div3A_116 = arith.divf %div3A_115, %add3A_113 : vector<16xf32>
    %swap3A_117 = arith.constant 48 : index
    %swap3A_118 = tpu.vector_load %arg12[%swap3A_117] {strides = array<i32>} : memref<64xf32, #tpu.memory_space<vmem>>, vector<16xf32>,
    %swap3A_119 = vector.shape_cast %swap3A_118 : vector<16xf32> to vector<16xf32>
    %swap3A_120 = vector.shape_cast %div3A_116 : vector<16xf32> to vector<16xf32>
    tpu.vector_store %arg12[%swap3A_117], %swap3A_120 {strides = array<i32>} : memref<64xf32, #tpu.memory_space<vmem>>, vector<16xf32>,
    %dma_start3A = arith.constant 0 : i32
    %dma_start3A_121 = arith.constant 0 : i32
    %dma_start3A_122 = tpu.memref_slice %arg5[%dma_start3A, %dma_start3A_121] : memref<10000x128xf32, #tpu.memory_space<hbm>> -> memref<10000x128xf32, #tpu.memory_space<hbm>>
    tpu.enqueue_indirect_dma source(%dma_start3A_122 : memref<10000x128xf32, #tpu.memory_space<hbm>>) target(%arg14 : memref<64x128xf32, #tpu.memory_space<vmem>>) offsets(%arg11 : memref<64xi32, #tpu.memory_space<vmem>>) semaphore(%arg15 : memref<!tpu.dma_semaphore, #tpu.memory_space<semaphore_mem>>)
    %dma_wait3A = arith.constant 0 : i32
    %dma_wait3A_123 = arith.constant 0 : i32
    %dma_wait3A_124 = tpu.memref_slice %arg5[%dma_wait3A, %dma_wait3A_123] : memref<10000x128xf32, #tpu.memory_space<hbm>> -> memref<10000x128xf32, #tpu.memory_space<hbm>>
    tpu.wait_indirect_dma semaphore(%arg15 : memref<!tpu.dma_semaphore, #tpu.memory_space<semaphore_mem>>) src(%dma_wait3A_124 : memref<10000x128xf32, #tpu.memory_space<hbm>>) dst(%arg14 : memref<64x128xf32, #tpu.memory_space<vmem>>)
    "tpu.region"() ({
      %run_scoped3A = tpu.sem_alloc : memref<!tpu.dma_semaphore, #tpu.memory_space<semaphore_mem>>
      %dma_start3A_125 = tpu.memref_slice %arg6[%mul3A_2] : memref<2048xf32, #tpu.memory_space<hbm>> -> memref<64xf32, #tpu.memory_space<hbm>>
      %dma_start3A_126 = tpu.memref_slice %arg6[%mul3A_2] : memref<2048xf32, #tpu.memory_space<hbm>> -> memref<64xf32, #tpu.memory_space<hbm>>
      tpu.enqueue_dma source(%arg12 : memref<64xf32, #tpu.memory_space<vmem>>) target(%dma_start3A_126 : memref<64xf32, #tpu.memory_space<hbm>>) target_semaphore(%run_scoped3A : memref<!tpu.dma_semaphore, #tpu.memory_space<semaphore_mem>>)
      %dma_wait3A_127 = tpu.memref_slice %arg6[%mul3A_2] : memref<2048xf32, #tpu.memory_space<hbm>> -> memref<64xf32, #tpu.memory_space<hbm>>
      %dma_wait3A_128 = tpu.memref_slice %arg6[%mul3A_2] : memref<2048xf32, #tpu.memory_space<hbm>> -> memref<64xf32, #tpu.memory_space<hbm>>
      tpu.wait_dma2 semaphore(%run_scoped3A : memref<!tpu.dma_semaphore, #tpu.memory_space<semaphore_mem>>) src(%arg12 : memref<64xf32, #tpu.memory_space<vmem>>) dst(%dma_wait3A_128 : memref<64xf32, #tpu.memory_space<hbm>>)
      tpu.yield
    }) : () -> ()
    "tpu.region"() ({
      %run_scoped3A = tpu.sem_alloc : memref<!tpu.dma_semaphore, #tpu.memory_space<semaphore_mem>>
      %dma_start3A_125 = tpu.memref_slice %arg7[%mul3A_2] : memref<2048xi32, #tpu.memory_space<hbm>> -> memref<64xi32, #tpu.memory_space<hbm>>
      %dma_start3A_126 = tpu.memref_slice %arg7[%mul3A_2] : memref<2048xi32, #tpu.memory_space<hbm>> -> memref<64xi32, #tpu.memory_space<hbm>>
      tpu.enqueue_dma source(%arg13 : memref<64xi32, #tpu.memory_space<vmem>>) target(%dma_start3A_126 : memref<64xi32, #tpu.memory_space<hbm>>) target_semaphore(%run_scoped3A : memref<!tpu.dma_semaphore, #tpu.memory_space<semaphore_mem>>)
      %dma_wait3A_127 = tpu.memref_slice %arg7[%mul3A_2] : memref<2048xi32, #tpu.memory_space<hbm>> -> memref<64xi32, #tpu.memory_space<hbm>>
      %dma_wait3A_128 = tpu.memref_slice %arg7[%mul3A_2] : memref<2048xi32, #tpu.memory_space<hbm>> -> memref<64xi32, #tpu.memory_space<hbm>>
      tpu.wait_dma2 semaphore(%run_scoped3A : memref<!tpu.dma_semaphore, #tpu.memory_space<semaphore_mem>>) src(%arg13 : memref<64xi32, #tpu.memory_space<vmem>>) dst(%dma_wait3A_128 : memref<64xi32, #tpu.memory_space<hbm>>)
      tpu.yield
    }) : () -> ()
    "tpu.region"() ({
      %run_scoped3A = tpu.sem_alloc : memref<!tpu.dma_semaphore, #tpu.memory_space<semaphore_mem>>
      %dma_start3A_125 = arith.constant 0 : i32
      %dma_start3A_126 = tpu.memref_slice %arg8[%mul3A_2, %dma_start3A_125] : memref<2048x128xf32, #tpu.memory_space<hbm>> -> memref<64x128xf32, #tpu.memory_space<hbm>>
      %dma_start3A_127 = arith.constant 0 : i32
      %dma_start3A_128 = tpu.memref_slice %arg8[%mul3A_2, %dma_start3A_127] : memref<2048x128xf32, #tpu.memory_space<hbm>> -> memref<64x128xf32, #tpu.memory_space<hbm>>
      tpu.enqueue_dma source(%arg14 : memref<64x128xf32, #tpu.memory_space<vmem>>) target(%dma_start3A_128 : memref<64x128xf32, #tpu.memory_space<hbm>>) target_semaphore(%run_scoped3A : memref<!tpu.dma_semaphore, #tpu.memory_space<semaphore_mem>>)
      %dma_wait3A_129 = arith.constant 0 : i32
      %dma_wait3A_130 = tpu.memref_slice %arg8[%mul3A_2, %dma_wait3A_129] : memref<2048x128xf32, #tpu.memory_space<hbm>> -> memref<64x128xf32, #tpu.memory_space<hbm>>
      %dma_wait3A_131 = arith.constant 0 : i32
      %dma_wait3A_132 = tpu.memref_slice %arg8[%mul3A_2, %dma_wait3A_131] : memref<2048x128xf32, #tpu.memory_space<hbm>> -> memref<64x128xf32, #tpu.memory_space<hbm>>
      tpu.wait_dma2 semaphore(%run_scoped3A : memref<!tpu.dma_semaphore, #tpu.memory_space<semaphore_mem>>) src(%arg14 : memref<64x128xf32, #tpu.memory_space<vmem>>) dst(%dma_wait3A_132 : memref<64x128xf32, #tpu.memory_space<hbm>>)
      tpu.yield
    }) : () -> ()
    return
  }
}

module attributes {stable_mosaic.version = 14 : i64} {
  func.func @_select_body(%arg0: memref<16x20000xf32, #tpu.memory_space<vmem>>, %arg1: memref<16x128xf32, #tpu.memory_space<vmem>>, %arg2: memref<16x128xi32, #tpu.memory_space<vmem>>) attributes {dimension_semantics = [], scalar_prefetch = 0 : i64, scratch_operands = 0 : i64, tpu.core_type = #tpu.core_type<tc>} {
    %get3A = arith.constant 0 : index
    %get3A_0 = arith.constant 0 : index
    %get3A_1 = vector.load %arg0[%get3A, %get3A_0] : memref<16x20000xf32, #tpu.memory_space<vmem>>, vector<16x20000xf32>
    %broadcast_in_dim3A = arith.constant 0xFF800000 : f32
    %broadcast_in_dim3A_2 = vector.broadcast %broadcast_in_dim3A : f32 to vector<16x128xf32>
    %broadcast_in_dim3A_3 = arith.constant 0 : i32
    %broadcast_in_dim3A_4 = vector.broadcast %broadcast_in_dim3A_3 : i32 to vector<16x128xi32>
    %iota3A = tpu.iota {dimensions = array<i32: 1>} : vector<16x20000xi32>
    %iota3A_5 = tpu.iota {dimensions = array<i32: 1>} : vector<16x128xi32>
    %scan3A = arith.constant 0 : i32
    %scan3A_6 = arith.constant 128 : i32
    %scan3A_7 = arith.addi %scan3A, %scan3A_6 : i32
    %scan3A_8 = arith.constant 1 : i32
    %scan3A_9:3 = scf.for %scan3A_16 = %scan3A to %scan3A_7 step %scan3A_8 iter_args(%scan3A_17 = %get3A_1, %scan3A_18 = %broadcast_in_dim3A_2, %scan3A_19 = %broadcast_in_dim3A_4) -> (vector<16x20000xf32>, vector<16x128xf32>, vector<16x128xi32>)  : i32 {
      %reduce_max3A = arith.constant dense<0xFF800000> : vector<16xf32>
      %reduce_max3A_20 = vector.multi_reduction <maximumf>, %scan3A_17, %reduce_max3A [1] : vector<16x20000xf32> to vector<16xf32>
      %broadcast_in_dim3A_21 = vector.shape_cast %reduce_max3A_20 : vector<16xf32> to vector<16x1xf32>
      %eq3A = vector.broadcast %broadcast_in_dim3A_21 : vector<16x1xf32> to vector<16x20000xf32>
      %eq3A_22 = arith.cmpf oeq, %scan3A_17, %eq3A : vector<16x20000xf32>
      %jit3A = arith.constant 1073741824 : i32
      %broadcast_in_dim3A_23 = vector.broadcast %jit3A : i32 to vector<16x20000xi32>
      %select_n3A = arith.select %eq3A_22, %iota3A, %broadcast_in_dim3A_23 : vector<16x20000xi1>, vector<16x20000xi32>
      %reduce_min3A = arith.constant dense<2147483647> : vector<16xi32>
      %reduce_min3A_24 = vector.multi_reduction <minsi>, %select_n3A, %reduce_min3A [1] : vector<16x20000xi32> to vector<16xi32>
      %broadcast_in_dim3A_25 = vector.shape_cast %reduce_min3A_24 : vector<16xi32> to vector<16x1xi32>
      %eq3A_26 = vector.broadcast %scan3A_16 : i32 to vector<16x128xi32>
      %eq3A_27 = arith.cmpi eq, %iota3A_5, %eq3A_26 : vector<16x128xi32>
      %broadcast_in_dim3A_28 = vector.shape_cast %broadcast_in_dim3A_21 : vector<16x1xf32> to vector<16x1xf32>
      %broadcast_in_dim3A_29 = vector.broadcast %broadcast_in_dim3A_28 : vector<16x1xf32> to vector<16x128xf32>
      %select_n3A_30 = arith.select %eq3A_27, %broadcast_in_dim3A_29, %scan3A_18 : vector<16x128xi1>, vector<16x128xf32>
      %eq3A_31 = vector.broadcast %scan3A_16 : i32 to vector<16x128xi32>
      %eq3A_32 = arith.cmpi eq, %iota3A_5, %eq3A_31 : vector<16x128xi32>
      %broadcast_in_dim3A_33 = vector.shape_cast %broadcast_in_dim3A_25 : vector<16x1xi32> to vector<16x1xi32>
      %broadcast_in_dim3A_34 = vector.broadcast %broadcast_in_dim3A_33 : vector<16x1xi32> to vector<16x128xi32>
      %select_n3A_35 = arith.select %eq3A_32, %broadcast_in_dim3A_34, %scan3A_19 : vector<16x128xi1>, vector<16x128xi32>
      %eq3A_36 = vector.broadcast %broadcast_in_dim3A_25 : vector<16x1xi32> to vector<16x20000xi32>
      %eq3A_37 = arith.cmpi eq, %iota3A, %eq3A_36 : vector<16x20000xi32>
      %jit3A_38 = arith.constant 0xFF800000 : f32
      %broadcast_in_dim3A_39 = vector.broadcast %jit3A_38 : f32 to vector<16x20000xf32>
      %select_n3A_40 = arith.select %eq3A_37, %broadcast_in_dim3A_39, %scan3A_17 : vector<16x20000xi1>, vector<16x20000xf32>
      scf.yield %select_n3A_40, %select_n3A_30, %select_n3A_35 : vector<16x20000xf32>, vector<16x128xf32>, vector<16x128xi32>
    }
    %scan3A_10 = arith.constant 128 : i32
    %swap3A = arith.constant 0 : index
    %swap3A_11 = arith.constant 0 : index
    %swap3A_12 = vector.load %arg1[%swap3A, %swap3A_11] : memref<16x128xf32, #tpu.memory_space<vmem>>, vector<16x128xf32>
    tpu.vector_store %arg1[%swap3A, %swap3A_11], %scan3A_9#1 {strides = array<i32>} : memref<16x128xf32, #tpu.memory_space<vmem>>, vector<16x128xf32>,
    %swap3A_13 = arith.constant 0 : index
    %swap3A_14 = arith.constant 0 : index
    %swap3A_15 = vector.load %arg2[%swap3A_13, %swap3A_14] : memref<16x128xi32, #tpu.memory_space<vmem>>, vector<16x128xi32>
    tpu.vector_store %arg2[%swap3A_13, %swap3A_14], %scan3A_9#2 {strides = array<i32>} : memref<16x128xi32, #tpu.memory_space<vmem>>, vector<16x128xi32>,
    return
  }
}

module attributes {stable_mosaic.version = 14 : i64} {
  func.func @_rowmax_body(%arg0: i32, %arg1: memref<1x20000x91xf32, #tpu.memory_space<vmem>>, %arg2: memref<1x1x20000xf32, #tpu.memory_space<vmem>>) attributes {dimension_semantics = [#tpu.dimension_semantics<arbitrary>], iteration_bounds = array<i64: 16>, scalar_prefetch = 0 : i64, scratch_operands = 0 : i64, tpu.core_type = #tpu.core_type<tc>, window_params = [{transform_indices = @transform_0, window_bounds = array<i64: 1, 20000, 91>}, {transform_indices = @transform_1, window_bounds = array<i64: 1, 1, 20000>}]} {
    %get3A = arith.constant 0 : index
    %get3A_0 = arith.constant 0 : index
    %get3A_1 = arith.constant 0 : index
    %get3A_2 = vector.load %arg1[%get3A, %get3A_0, %get3A_1] : memref<1x20000x91xf32, #tpu.memory_space<vmem>>, vector<1x20000x91xf32>
    %reduce_max3A = arith.constant dense<0xFF800000> : vector<1x20000xf32>
    %reduce_max3A_3 = vector.multi_reduction <maximumf>, %get3A_2, %reduce_max3A [2] : vector<1x20000x91xf32> to vector<1x20000xf32>
    %broadcast_in_dim3A = vector.shape_cast %reduce_max3A_3 : vector<1x20000xf32> to vector<1x1x20000xf32>
    %swap3A = arith.constant 0 : index
    %swap3A_4 = arith.constant 0 : index
    %swap3A_5 = arith.constant 0 : index
    %swap3A_6 = vector.load %arg2[%swap3A, %swap3A_4, %swap3A_5] : memref<1x1x20000xf32, #tpu.memory_space<vmem>>, vector<1x1x20000xf32>
    tpu.vector_store %arg2[%swap3A, %swap3A_4, %swap3A_5], %broadcast_in_dim3A {strides = array<i32>} : memref<1x1x20000xf32, #tpu.memory_space<vmem>>, vector<1x1x20000xf32>,
    return
  }
  func.func @transform_0(%arg0: i32) -> (i32, i32, i32) {
    %c0_i32 = arith.constant 0 : i32
    %c0_i32_0 = arith.constant 0 : i32
    %c0_i32_1 = arith.constant 0 : i32
    return %arg0, %c0_i32, %c0_i32_0 : i32, i32, i32
  }
  func.func @transform_1(%arg0: i32) -> (i32, i32, i32) {
    %c0_i32 = arith.constant 0 : i32
    %c0_i32_0 = arith.constant 0 : i32
    %c0_i32_1 = arith.constant 0 : i32
    return %arg0, %c0_i32, %c0_i32_0 : i32, i32, i32
  }
}

module attributes {stable_mosaic.version = 14 : i64} {
  func.func @_final_body(%arg0: memref<16x11648xf32, #tpu.memory_space<vmem>>, %arg1: memref<16x128xi32, #tpu.memory_space<vmem>>, %arg2: memref<16x128xf32, #tpu.memory_space<vmem>>, %arg3: memref<16x128xi32, #tpu.memory_space<vmem>>, %arg4: memref<16x128xi32, #tpu.memory_space<vmem>>, %arg5: memref<16x128xi32, #tpu.memory_space<vmem>>) attributes {dimension_semantics = [], scalar_prefetch = 0 : i64, scratch_operands = 0 : i64, tpu.core_type = #tpu.core_type<tc>} {
    %get3A = arith.constant 0 : index
    %get3A_0 = arith.constant 0 : index
    %get3A_1 = vector.load %arg0[%get3A, %get3A_0] : memref<16x11648xf32, #tpu.memory_space<vmem>>, vector<16x11648xf32>
    %broadcast_in_dim3A = arith.constant 0xFF800000 : f32
    %broadcast_in_dim3A_2 = vector.broadcast %broadcast_in_dim3A : f32 to vector<16x128xf32>
    %broadcast_in_dim3A_3 = arith.constant 0 : i32
    %broadcast_in_dim3A_4 = vector.broadcast %broadcast_in_dim3A_3 : i32 to vector<16x128xi32>
    %iota3A = tpu.iota {dimensions = array<i32: 1>} : vector<16x11648xi32>
    %iota3A_5 = tpu.iota {dimensions = array<i32: 1>} : vector<16x128xi32>
    %scan3A = arith.constant 0 : i32
    %scan3A_6 = arith.constant 100 : i32
    %scan3A_7 = arith.addi %scan3A, %scan3A_6 : i32
    %scan3A_8 = arith.constant 1 : i32
    %scan3A_9:3 = scf.for %scan3A_96 = %scan3A to %scan3A_7 step %scan3A_8 iter_args(%scan3A_97 = %get3A_1, %scan3A_98 = %broadcast_in_dim3A_2, %scan3A_99 = %broadcast_in_dim3A_4) -> (vector<16x11648xf32>, vector<16x128xf32>, vector<16x128xi32>)  : i32 {
      %reduce_max3A = arith.constant dense<0xFF800000> : vector<16xf32>
      %reduce_max3A_100 = vector.multi_reduction <maximumf>, %scan3A_97, %reduce_max3A [1] : vector<16x11648xf32> to vector<16xf32>
      %broadcast_in_dim3A_101 = vector.shape_cast %reduce_max3A_100 : vector<16xf32> to vector<16x1xf32>
      %eq3A_102 = vector.broadcast %broadcast_in_dim3A_101 : vector<16x1xf32> to vector<16x11648xf32>
      %eq3A_103 = arith.cmpf oeq, %scan3A_97, %eq3A_102 : vector<16x11648xf32>
      %jit3A_104 = arith.constant 1073741824 : i32
      %broadcast_in_dim3A_105 = vector.broadcast %jit3A_104 : i32 to vector<16x11648xi32>
      %select_n3A_106 = arith.select %eq3A_103, %iota3A, %broadcast_in_dim3A_105 : vector<16x11648xi1>, vector<16x11648xi32>
      %reduce_min3A = arith.constant dense<2147483647> : vector<16xi32>
      %reduce_min3A_107 = vector.multi_reduction <minsi>, %select_n3A_106, %reduce_min3A [1] : vector<16x11648xi32> to vector<16xi32>
      %broadcast_in_dim3A_108 = vector.shape_cast %reduce_min3A_107 : vector<16xi32> to vector<16x1xi32>
      %eq3A_109 = vector.broadcast %scan3A_96 : i32 to vector<16x128xi32>
      %eq3A_110 = arith.cmpi eq, %iota3A_5, %eq3A_109 : vector<16x128xi32>
      %broadcast_in_dim3A_111 = vector.shape_cast %broadcast_in_dim3A_101 : vector<16x1xf32> to vector<16x1xf32>
      %broadcast_in_dim3A_112 = vector.broadcast %broadcast_in_dim3A_111 : vector<16x1xf32> to vector<16x128xf32>
      %select_n3A_113 = arith.select %eq3A_110, %broadcast_in_dim3A_112, %scan3A_98 : vector<16x128xi1>, vector<16x128xf32>
      %eq3A_114 = vector.broadcast %scan3A_96 : i32 to vector<16x128xi32>
      %eq3A_115 = arith.cmpi eq, %iota3A_5, %eq3A_114 : vector<16x128xi32>
      %broadcast_in_dim3A_116 = vector.shape_cast %broadcast_in_dim3A_108 : vector<16x1xi32> to vector<16x1xi32>
      %broadcast_in_dim3A_117 = vector.broadcast %broadcast_in_dim3A_116 : vector<16x1xi32> to vector<16x128xi32>
      %select_n3A_118 = arith.select %eq3A_115, %broadcast_in_dim3A_117, %scan3A_99 : vector<16x128xi1>, vector<16x128xi32>
      %eq3A_119 = vector.broadcast %broadcast_in_dim3A_108 : vector<16x1xi32> to vector<16x11648xi32>
      %eq3A_120 = arith.cmpi eq, %iota3A, %eq3A_119 : vector<16x11648xi32>
      %jit3A_121 = arith.constant 0xFF800000 : f32
      %broadcast_in_dim3A_122 = vector.broadcast %jit3A_121 : f32 to vector<16x11648xf32>
      %select_n3A_123 = arith.select %eq3A_120, %broadcast_in_dim3A_122, %scan3A_97 : vector<16x11648xi1>, vector<16x11648xf32>
      scf.yield %select_n3A_123, %select_n3A_113, %select_n3A_118 : vector<16x11648xf32>, vector<16x128xf32>, vector<16x128xi32>
    }
    %scan3A_10 = arith.constant 100 : i32
    %swap3A = arith.constant 0 : index
    %swap3A_11 = arith.constant 0 : index
    %swap3A_12 = vector.load %arg2[%swap3A, %swap3A_11] : memref<16x128xf32, #tpu.memory_space<vmem>>, vector<16x128xf32>
    tpu.vector_store %arg2[%swap3A, %swap3A_11], %scan3A_9#1 {strides = array<i32>} : memref<16x128xf32, #tpu.memory_space<vmem>>, vector<16x128xf32>,
    %swap3A_13 = arith.constant 0 : index
    %swap3A_14 = arith.constant 0 : index
    %swap3A_15 = vector.load %arg3[%swap3A_13, %swap3A_14] : memref<16x128xi32, #tpu.memory_space<vmem>>, vector<16x128xi32>
    tpu.vector_store %arg3[%swap3A_13, %swap3A_14], %scan3A_9#2 {strides = array<i32>} : memref<16x128xi32, #tpu.memory_space<vmem>>, vector<16x128xi32>,
    %jit3A = arith.constant 91 : i32
    %div3A = vector.broadcast %jit3A : i32 to vector<16x128xi32>
    %div3A_16 = arith.divsi %scan3A_9#2, %div3A : vector<16x128xi32>
    %sign3A = arith.constant 0 : i32
    %sign3A_17 = vector.broadcast %sign3A : i32 to vector<16x128xi32>
    %sign3A_18 = arith.cmpi sgt, %scan3A_9#2, %sign3A_17 : vector<16x128xi32>
    %sign3A_19 = arith.extui %sign3A_18 : vector<16x128xi1> to vector<16x128xi32>
    %sign3A_20 = arith.constant 0 : i32
    %sign3A_21 = vector.broadcast %sign3A_20 : i32 to vector<16x128xi32>
    %sign3A_22 = arith.cmpi slt, %scan3A_9#2, %sign3A_21 : vector<16x128xi32>
    %sign3A_23 = arith.extui %sign3A_22 : vector<16x128xi1> to vector<16x128xi32>
    %sign3A_24 = arith.subi %sign3A_19, %sign3A_23 : vector<16x128xi32>
    %sign3A_25 = arith.constant 0 : i32
    %sign3A_26 = arith.cmpi sgt, %jit3A, %sign3A_25 : i32
    %sign3A_27 = arith.extui %sign3A_26 : i1 to i32
    %sign3A_28 = arith.constant 0 : i32
    %sign3A_29 = arith.cmpi slt, %jit3A, %sign3A_28 : i32
    %sign3A_30 = arith.extui %sign3A_29 : i1 to i32
    %sign3A_31 = arith.subi %sign3A_27, %sign3A_30 : i32
    %ne3A = vector.broadcast %sign3A_31 : i32 to vector<16x128xi32>
    %ne3A_32 = arith.cmpi ne, %sign3A_24, %ne3A : vector<16x128xi32>
    %rem3A = vector.broadcast %jit3A : i32 to vector<16x128xi32>
    %rem3A_33 = arith.remsi %scan3A_9#2, %rem3A : vector<16x128xi32>
    %ne3A_34 = arith.constant 0 : i32
    %ne3A_35 = vector.broadcast %ne3A_34 : i32 to vector<16x128xi32>
    %ne3A_36 = arith.cmpi ne, %rem3A_33, %ne3A_35 : vector<16x128xi32>
    %and3A = arith.andi %ne3A_32, %ne3A_36 : vector<16x128xi1>
    %sub3A = arith.constant 1 : i32
    %sub3A_37 = vector.broadcast %sub3A : i32 to vector<16x128xi32>
    %sub3A_38 = arith.subi %div3A_16, %sub3A_37 : vector<16x128xi32>
    %select_n3A = arith.select %and3A, %sub3A_38, %div3A_16 : vector<16x128xi1>, vector<16x128xi32>
    %get3A_39 = arith.constant 0 : index
    %get3A_40 = arith.constant 0 : index
    %get3A_41 = vector.load %arg1[%get3A_39, %get3A_40] : memref<16x128xi32, #tpu.memory_space<vmem>>, vector<16x128xi32>
    %iota3A_42 = tpu.iota {dimensions = array<i32: 2>} : vector<16x128x128xi32>
    %broadcast_in_dim3A_43 = vector.shape_cast %select_n3A : vector<16x128xi32> to vector<16x128x1xi32>
    %eq3A = vector.broadcast %broadcast_in_dim3A_43 : vector<16x128x1xi32> to vector<16x128x128xi32>
    %eq3A_44 = arith.cmpi eq, %eq3A, %iota3A_42 : vector<16x128x128xi32>
    %convert_element_type3A = arith.extui %eq3A_44 : vector<16x128x128xi1> to vector<16x128x128xi32>
    %broadcast_in_dim3A_45 = vector.shape_cast %get3A_41 : vector<16x128xi32> to vector<16x1x128xi32>
    %mul3A = vector.broadcast %broadcast_in_dim3A_45 : vector<16x1x128xi32> to vector<16x128x128xi32>
    %mul3A_46 = arith.muli %convert_element_type3A, %mul3A : vector<16x128x128xi32>
    %reduce_sum3A = arith.constant dense<0> : vector<16x128xi32>
    %reduce_sum3A_47 = vector.multi_reduction <add>, %mul3A_46, %reduce_sum3A [2] : vector<16x128x128xi32> to vector<16x128xi32>
    %iota3A_48 = tpu.iota {dimensions = array<i32: 0>} : vector<16x128xi32>
    %mul3A_49 = arith.constant 20000 : i32
    %mul3A_50 = vector.broadcast %mul3A_49 : i32 to vector<16x128xi32>
    %mul3A_51 = arith.muli %iota3A_48, %mul3A_50 : vector<16x128xi32>
    %add3A = arith.addi %reduce_sum3A_47, %mul3A_51 : vector<16x128xi32>
    %jit3A_52 = arith.constant 32 : i32
    %div3A_53 = vector.broadcast %jit3A_52 : i32 to vector<16x128xi32>
    %div3A_54 = arith.divsi %add3A, %div3A_53 : vector<16x128xi32>
    %sign3A_55 = arith.constant 0 : i32
    %sign3A_56 = vector.broadcast %sign3A_55 : i32 to vector<16x128xi32>
    %sign3A_57 = arith.cmpi sgt, %add3A, %sign3A_56 : vector<16x128xi32>
    %sign3A_58 = arith.extui %sign3A_57 : vector<16x128xi1> to vector<16x128xi32>
    %sign3A_59 = arith.constant 0 : i32
    %sign3A_60 = vector.broadcast %sign3A_59 : i32 to vector<16x128xi32>
    %sign3A_61 = arith.cmpi slt, %add3A, %sign3A_60 : vector<16x128xi32>
    %sign3A_62 = arith.extui %sign3A_61 : vector<16x128xi1> to vector<16x128xi32>
    %sign3A_63 = arith.subi %sign3A_58, %sign3A_62 : vector<16x128xi32>
    %sign3A_64 = arith.constant 0 : i32
    %sign3A_65 = arith.cmpi sgt, %jit3A_52, %sign3A_64 : i32
    %sign3A_66 = arith.extui %sign3A_65 : i1 to i32
    %sign3A_67 = arith.constant 0 : i32
    %sign3A_68 = arith.cmpi slt, %jit3A_52, %sign3A_67 : i32
    %sign3A_69 = arith.extui %sign3A_68 : i1 to i32
    %sign3A_70 = arith.subi %sign3A_66, %sign3A_69 : i32
    %ne3A_71 = vector.broadcast %sign3A_70 : i32 to vector<16x128xi32>
    %ne3A_72 = arith.cmpi ne, %sign3A_63, %ne3A_71 : vector<16x128xi32>
    %rem3A_73 = vector.broadcast %jit3A_52 : i32 to vector<16x128xi32>
    %rem3A_74 = arith.remsi %add3A, %rem3A_73 : vector<16x128xi32>
    %ne3A_75 = arith.constant 0 : i32
    %ne3A_76 = vector.broadcast %ne3A_75 : i32 to vector<16x128xi32>
    %ne3A_77 = arith.cmpi ne, %rem3A_74, %ne3A_76 : vector<16x128xi32>
    %and3A_78 = arith.andi %ne3A_72, %ne3A_77 : vector<16x128xi1>
    %sub3A_79 = arith.constant 1 : i32
    %sub3A_80 = vector.broadcast %sub3A_79 : i32 to vector<16x128xi32>
    %sub3A_81 = arith.subi %div3A_54, %sub3A_80 : vector<16x128xi32>
    %select_n3A_82 = arith.select %and3A_78, %sub3A_81, %div3A_54 : vector<16x128xi1>, vector<16x128xi32>
    %swap3A_83 = arith.constant 0 : index
    %swap3A_84 = arith.constant 0 : index
    %swap3A_85 = vector.load %arg4[%swap3A_83, %swap3A_84] : memref<16x128xi32, #tpu.memory_space<vmem>>, vector<16x128xi32>
    tpu.vector_store %arg4[%swap3A_83, %swap3A_84], %select_n3A_82 {strides = array<i32>} : memref<16x128xi32, #tpu.memory_space<vmem>>, vector<16x128xi32>,
    %mul3A_86 = arith.constant 32 : i32
    %mul3A_87 = vector.broadcast %mul3A_86 : i32 to vector<16x128xi32>
    %mul3A_88 = arith.muli %select_n3A_82, %mul3A_87 : vector<16x128xi32>
    %sub3A_89 = arith.subi %add3A, %mul3A_88 : vector<16x128xi32>
    %mul3A_90 = arith.constant 4 : i32
    %mul3A_91 = vector.broadcast %mul3A_90 : i32 to vector<16x128xi32>
    %mul3A_92 = arith.muli %sub3A_89, %mul3A_91 : vector<16x128xi32>
    %swap3A_93 = arith.constant 0 : index
    %swap3A_94 = arith.constant 0 : index
    %swap3A_95 = vector.load %arg5[%swap3A_93, %swap3A_94] : memref<16x128xi32, #tpu.memory_space<vmem>>, vector<16x128xi32>
    tpu.vector_store %arg5[%swap3A_93, %swap3A_94], %mul3A_92 {strides = array<i32>} : memref<16x128xi32, #tpu.memory_space<vmem>>, vector<16x128xi32>,
    return
  }
}

module attributes {stable_mosaic.version = 14 : i64} {
  func.func @_boxes_body(%arg0: memref<2048x128xf32, #tpu.memory_space<vmem>>, %arg1: memref<2048x1xi32, #tpu.memory_space<vmem>>, %arg2: memref<2048x4xf32, #tpu.memory_space<vmem>>, %arg3: memref<2048x4xf32, #tpu.memory_space<vmem>>) attributes {dimension_semantics = [], scalar_prefetch = 0 : i64, scratch_operands = 0 : i64, tpu.core_type = #tpu.core_type<tc>} {
    %get3A = arith.constant 0 : index
    %get3A_0 = arith.constant 0 : index
    %get3A_1 = vector.load %arg0[%get3A, %get3A_0] : memref<2048x128xf32, #tpu.memory_space<vmem>>, vector<2048x128xf32>
    %get3A_2 = arith.constant 0 : index
    %get3A_3 = arith.constant 0 : index
    %get3A_4 = vector.load %arg1[%get3A_2, %get3A_3] : memref<2048x1xi32, #tpu.memory_space<vmem>>, vector<2048x1xi32>
    %get3A_5 = arith.constant 0 : index
    %get3A_6 = arith.constant 0 : index
    %get3A_7 = vector.load %arg2[%get3A_5, %get3A_6] : memref<2048x4xf32, #tpu.memory_space<vmem>>, vector<2048x4xf32>
    %iota3A = tpu.iota {dimensions = array<i32: 1>} : vector<2048x128xi32>
    %eq3A = vector.broadcast %get3A_4 : vector<2048x1xi32> to vector<2048x128xi32>
    %eq3A_8 = arith.cmpi eq, %iota3A, %eq3A : vector<2048x128xi32>
    %jit3A = arith.constant 0.000000e+00 : f32
    %broadcast_in_dim3A = vector.broadcast %jit3A : f32 to vector<2048x128xf32>
    %select_n3A = arith.select %eq3A_8, %get3A_1, %broadcast_in_dim3A : vector<2048x128xi1>, vector<2048x128xf32>
    %reduce_sum3A = arith.constant dense<0.000000e+00> : vector<2048xf32>
    %reduce_sum3A_9 = vector.multi_reduction <add>, %select_n3A, %reduce_sum3A [1] : vector<2048x128xf32> to vector<2048xf32>
    %add3A = arith.constant 1 : i32
    %add3A_10 = vector.broadcast %add3A : i32 to vector<2048x1xi32>
    %add3A_11 = arith.addi %get3A_4, %add3A_10 : vector<2048x1xi32>
    %eq3A_12 = vector.broadcast %add3A_11 : vector<2048x1xi32> to vector<2048x128xi32>
    %eq3A_13 = arith.cmpi eq, %iota3A, %eq3A_12 : vector<2048x128xi32>
    %jit3A_14 = arith.constant 0.000000e+00 : f32
    %broadcast_in_dim3A_15 = vector.broadcast %jit3A_14 : f32 to vector<2048x128xf32>
    %select_n3A_16 = arith.select %eq3A_13, %get3A_1, %broadcast_in_dim3A_15 : vector<2048x128xi1>, vector<2048x128xf32>
    %reduce_sum3A_17 = arith.constant dense<0.000000e+00> : vector<2048xf32>
    %reduce_sum3A_18 = vector.multi_reduction <add>, %select_n3A_16, %reduce_sum3A_17 [1] : vector<2048x128xf32> to vector<2048xf32>
    %add3A_19 = arith.constant 2 : i32
    %add3A_20 = vector.broadcast %add3A_19 : i32 to vector<2048x1xi32>
    %add3A_21 = arith.addi %get3A_4, %add3A_20 : vector<2048x1xi32>
    %eq3A_22 = vector.broadcast %add3A_21 : vector<2048x1xi32> to vector<2048x128xi32>
    %eq3A_23 = arith.cmpi eq, %iota3A, %eq3A_22 : vector<2048x128xi32>
    %jit3A_24 = arith.constant 0.000000e+00 : f32
    %broadcast_in_dim3A_25 = vector.broadcast %jit3A_24 : f32 to vector<2048x128xf32>
    %select_n3A_26 = arith.select %eq3A_23, %get3A_1, %broadcast_in_dim3A_25 : vector<2048x128xi1>, vector<2048x128xf32>
    %reduce_sum3A_27 = arith.constant dense<0.000000e+00> : vector<2048xf32>
    %reduce_sum3A_28 = vector.multi_reduction <add>, %select_n3A_26, %reduce_sum3A_27 [1] : vector<2048x128xf32> to vector<2048xf32>
    %add3A_29 = arith.constant 3 : i32
    %add3A_30 = vector.broadcast %add3A_29 : i32 to vector<2048x1xi32>
    %add3A_31 = arith.addi %get3A_4, %add3A_30 : vector<2048x1xi32>
    %eq3A_32 = vector.broadcast %add3A_31 : vector<2048x1xi32> to vector<2048x128xi32>
    %eq3A_33 = arith.cmpi eq, %iota3A, %eq3A_32 : vector<2048x128xi32>
    %jit3A_34 = arith.constant 0.000000e+00 : f32
    %broadcast_in_dim3A_35 = vector.broadcast %jit3A_34 : f32 to vector<2048x128xf32>
    %select_n3A_36 = arith.select %eq3A_33, %get3A_1, %broadcast_in_dim3A_35 : vector<2048x128xi1>, vector<2048x128xf32>
    %reduce_sum3A_37 = arith.constant dense<0.000000e+00> : vector<2048xf32>
    %reduce_sum3A_38 = vector.multi_reduction <add>, %select_n3A_36, %reduce_sum3A_37 [1] : vector<2048x128xf32> to vector<2048xf32>
    %mul3A = arith.constant 5.000000e-01 : f32
    %mul3A_39 = vector.broadcast %mul3A : f32 to vector<2048xf32>
    %mul3A_40 = arith.mulf %mul3A_39, %reduce_sum3A_28 : vector<2048xf32>
    %sub3A = arith.subf %reduce_sum3A_9, %mul3A_40 : vector<2048xf32>
    %mul3A_41 = arith.constant 5.000000e-01 : f32
    %mul3A_42 = vector.broadcast %mul3A_41 : f32 to vector<2048xf32>
    %mul3A_43 = arith.mulf %mul3A_42, %reduce_sum3A_38 : vector<2048xf32>
    %sub3A_44 = arith.subf %reduce_sum3A_18, %mul3A_43 : vector<2048xf32>
    %mul3A_45 = arith.constant 5.000000e-01 : f32
    %mul3A_46 = vector.broadcast %mul3A_45 : f32 to vector<2048xf32>
    %mul3A_47 = arith.mulf %mul3A_46, %reduce_sum3A_28 : vector<2048xf32>
    %add3A_48 = arith.addf %reduce_sum3A_9, %mul3A_47 : vector<2048xf32>
    %mul3A_49 = arith.constant 5.000000e-01 : f32
    %mul3A_50 = vector.broadcast %mul3A_49 : f32 to vector<2048xf32>
    %mul3A_51 = arith.mulf %mul3A_50, %reduce_sum3A_38 : vector<2048xf32>
    %add3A_52 = arith.addf %reduce_sum3A_18, %mul3A_51 : vector<2048xf32>
    %stack3A = vector.shape_cast %sub3A : vector<2048xf32> to vector<2048x1xf32>
    %stack3A_53 = vector.shape_cast %sub3A_44 : vector<2048xf32> to vector<2048x1xf32>
    %stack3A_54 = vector.shape_cast %add3A_48 : vector<2048xf32> to vector<2048x1xf32>
    %stack3A_55 = vector.shape_cast %add3A_52 : vector<2048xf32> to vector<2048x1xf32>
    %stack3A_56 = tpu.concatenate %stack3A, %stack3A_53, %stack3A_54, %stack3A_55 in 1 : vector<2048x1xf32>, vector<2048x1xf32>, vector<2048x1xf32>, vector<2048x1xf32> -> vector<2048x4xf32>
    %mul3A_57 = arith.mulf %stack3A_56, %get3A_7 : vector<2048x4xf32>
    %swap3A = arith.constant 0 : index
    %swap3A_58 = arith.constant 0 : index
    %swap3A_59 = vector.load %arg3[%swap3A, %swap3A_58] : memref<2048x4xf32, #tpu.memory_space<vmem>>, vector<2048x4xf32>
    tpu.vector_store %arg3[%swap3A, %swap3A_58], %mul3A_57 {strides = array<i32>} : memref<2048x4xf32, #tpu.memory_space<vmem>>, vector<2048x4xf32>,
    return
  }
}

</mosaic_0001>

<sc_bundles>
// kernel: gather_offload_async_start
scs
__scs_entry_jumppad:
0x0: {  	(pc) =	sbr.rel $0x88, $3  }
0x1: {  	(tag) =	ssettag $0x0;
	lr =	simm.s32 $0x1  }
0x2: {  	[smem:$0x3F9E] =	sst lr;
	_ =	strace $0xD0000000  }
0x3: {  	_ = 	snop  }
0x4: {  	_ = 	snop  }
0x5: {  	_ = 	snop  }
0x6: {  	_ = 	snop  }
0x7: {  	_ = 	snop  }
__scs_overlays_trampoline_lowered:
0x8: {  	[smem:$0x3FAD] =	sst s0  }
0x9: {  	[smem:$0x3FAE] =	sst s1  }
0xa: {  	[smem:$0x3FAF] =	sst s2  }
0xb: {  	[smem:$0x3FB0] =	sst s3  }
0xc: {  	[smem:$0x3FB1] =	sst s4  }
0xd: {  	[smem:$0x3FB2] =	sst s5  }
0xe: {  	[smem:$0x3FB3] =	sst s6  }
0xf: {  	[smem:$0x3FB4] =	sst s7  }
0x10: {  	[smem:$0x3FB5] =	sst s8  }
0x11: {  	[smem:$0x3FB6] =	sst s9;
	s0 =	simm.s32 @!p0 $0x0  }
0x12: {  	s1 =	sld [smem:$0x3F9C];
	s0 =	simm.s32 @p0 $0x1  }
0x13: {  	[smem:$0x3FB7] =	sst s0;
	s0 =	simm.s32 @!p1 $0x0  }
0x14: {  	s2 =	sld [smem:$0x3F9B];
	s0 =	simm.s32 @p1 $0x1  }
0x15: {  	[smem:$0x3FB8] =	sst s0;
	s0 =	simm.s32 @!p2 $0x0  }
0x16: {  	s3 =	sld [smem:$0x3FDB];
	s0 =	simm.s32 @p2 $0x1  }
0x17: {  	s4 =	simm.s32 $0x1BF5;
	[smem:$0x3FBA] =	sst s0  }
0x18: {  	s0 =	sld [smem:$0x3F9D];
	_ =	swait.ge [sflag:s4], $0x0  }
0x19: {  	s7 =	sld [smem:$0x3F9E]  }
0x1a: {  	s8 =	sadd.s32 $0xFFFFE003, lr  }
0x1b: {  	s9 =	sadd.s32 $0xFFFFFEF7, lr;
	s5 =	simm.s32 $0xFFFFFFFF;
	p2 =	slt.u32 s8, $0xFFFFF086  }
0x1c: {  	p1 =	slt.u32 s9, $0xF7A;
	s5 =	simm.s32 @!p2 $0x0  }
0x1d: {  	s5 =	simm.s32 @p1 $0x1;
	p0 =	seq.s32 s7, s2  }
0x1e: {  	s7 =	smul.u32 @!p0 $0xF7A, s2;
	p2 =	seq.s32 @!p0 s5, $0x0  }
0x1f: {  	s9 =	smul.u32 $0xF7A, s1;
	s8 =	simm.s32 @!p0 $0x1BF5;
	p2 =	por !p2, p0  }
0x20: {  	[sflag:s8] =	ssyncset.s32 @!p0 $0xFFFFF086;
	s6 =	sadd.s32 @!p0 s3, s7;
	s7 =	simm.s32 @!p0 $0x108  }
0x21: {  	s3 =	sadd.s32 s3, s9;
	s6 =	sadd.s32 @!p0 $0x88, s6;
	s7 =	simm.s32 @p2 $0x1082  }
0x22: {  	[simem:s7], [sflag:s8] =	dma.local @!p0 [hbm:s6], $0xF7A  }
0x23: {  	s9 =	sor.u32 $0xD0000000, s2;
	s6 =	simm.s32 $0x108;
	_ =	swait.ge @!p0 [sflag:s8], $0x0  }
0x24: {  	s3 =	sadd.s32 $0x88, s3;
	s6 =	simm.s32 @!p1 $0x1082;
	[sflag:s4] =	ssyncset.s32 $0xFFFFF086  }
0x25: {  	[simem:s6], [sflag:s4] =	dma.local [hbm:s3], $0xF7A  }
0x26: {  	[smem:$0x3F9E] =	sst s1;
	(tag) =	ssettag s2;
	_ =	strace s9  }
0x27: {  	s1 =	sld [smem:$0x3FAE]  }
0x28: {  	s2 =	sld [smem:$0x3FAF]  }
0x29: {  	s4 =	sld [smem:$0x3FB1]  }
0x2a: {  	p0 =	seq.s32 s5, $0x0;
	s5 =	sld [smem:$0x3FB2]  }
0x2b: {  	s6 =	sld [smem:$0x3FB3]  }
0x2c: {  	s7 =	sld [smem:$0x3FB4]  }
0x2d: {  	s3 =	simm.s32 $0x108;
	s8 =	sld [smem:$0x3FB5]  }
0x2e: {  	s3 =	simm.s32 @!p0 $0x1082;
	s9 =	sld [smem:$0x3FB6]  }
0x2f: {  	lr =	sadd.s32 s0, s3;
	s0 =	sld [smem:$0x3FAD]  }
0x30: {  	s3 =	sld [smem:$0x3FB0]  }
0x31: {  	[smem:$0x3FB9] =	sst s10  }
0x32: {  	s10 =	sld [smem:$0x3FB7];
	_ =	sdelay $0x3  }
0x33: {  	p0 =	seq.s32 s10, $0x1;
	s10 =	sld [smem:$0x3FB9];
	_ =	sdelay $0x3  }
0x34: {  	[smem:$0x3FB9] =	sst s10  }
0x35: {  	s10 =	sld [smem:$0x3FB8];
	_ =	sdelay $0x3  }
0x36: {  	p1 =	seq.s32 s10, $0x1;
	s10 =	sld [smem:$0x3FB9];
	_ =	sdelay $0x3  }
0x37: {  	[smem:$0x3FB9] =	sst s10  }
0x38: {  	s10 =	sld [smem:$0x3FBA]  }
0x39: {  	_ = 	snop;
	(pc) =	sbr.ind lr, $3  }
0x3a: {  	_ = 	snop  }
0x3b: {  	_ = 	snop  }
0x3c: {  	p2 =	seq.s32 s10, $0x1;
	s10 =	sld [smem:$0x3FB9]  }
0x3d: {  	_ =	shalt  }
0x3e: {  	_ =	shalt  }
0x3f: {  	_ =	shalt  }
0x40: {  	_ =	shalt  }
0x41: {  	_ =	shalt  }
0x42: {  	_ =	shalt  }
0x43: {  	_ =	shalt  }
0x44: {  	_ =	shalt  }
0x45: {  	_ =	shalt  }
0x46: {  	_ =	shalt  }
0x47: {  	_ =	shalt  }
0x48: {  	_ =	shalt  }
0x49: {  	_ =	shalt  }
0x4a: {  	_ =	shalt  }
0x4b: {  	_ =	shalt  }
0x4c: {  	_ =	shalt  }
0x4d: {  	_ =	shalt  }
0x4e: {  	_ =	shalt  }
0x4f: {  	_ =	shalt  }
0x50: {  	_ =	shalt  }
0x51: {  	_ =	shalt  }
0x52: {  	_ =	shalt  }
0x53: {  	_ =	shalt  }
0x54: {  	_ =	shalt  }
0x55: {  	_ =	shalt  }
0x56: {  	_ =	shalt  }
0x57: {  	_ =	shalt  }
0x58: {  	_ =	shalt  }
0x59: {  	_ =	shalt  }
0x5a: {  	_ =	shalt  }
0x5b: {  	_ =	shalt  }
0x5c: {  	_ =	shalt  }
0x5d: {  	_ =	shalt  }
0x5e: {  	_ =	shalt  }
0x5f: {  	_ =	shalt  }
0x60: {  	_ =	shalt  }
0x61: {  	_ =	shalt  }
0x62: {  	_ =	shalt  }
0x63: {  	_ =	shalt  }
0x64: {  	_ =	shalt  }
0x65: {  	_ =	shalt  }
0x66: {  	_ =	shalt  }
0x67: {  	_ =	shalt  }
0x68: {  	_ =	shalt  }
0x69: {  	_ =	shalt  }
0x6a: {  	_ =	shalt  }
0x6b: {  	_ =	shalt  }
0x6c: {  	_ =	shalt  }
0x6d: {  	_ =	shalt  }
0x6e: {  	_ =	shalt  }
0x6f: {  	_ =	shalt  }
0x70: {  	_ =	shalt  }
0x71: {  	_ =	shalt  }
0x72: {  	_ =	shalt  }
0x73: {  	_ =	shalt  }
0x74: {  	_ =	shalt  }
0x75: {  	_ =	shalt  }
0x76: {  	_ =	shalt  }
0x77: {  	_ =	shalt  }
0x78: {  	_ =	shalt  }
0x79: {  	_ =	shalt  }
0x7a: {  	_ =	shalt  }
0x7b: {  	_ =	shalt  }
0x7c: {  	_ =	shalt  }
0x7d: {  	_ =	shalt  }
0x7e: {  	_ =	shalt  }
0x7f: {  	_ =	shalt  }
0x80: {  	_ =	shalt  }
0x81: {  	_ =	shalt  }
0x82: {  	_ =	shalt  }
0x83: {  	_ =	shalt  }
0x84: {  	_ =	shalt  }
0x85: {  	_ =	shalt  }
0x86: {  	_ =	shalt  }
0x87: {  	_ =	shalt  }
.Lfunc_end0:
.L_simem_size_0:
called_computation_lowered:
.L_overlay_start_0:
0x88: {  	s2 =	sld [smem:$0x3FD9]  }
0x89: {  	s3 =	sld [smem:$0x3FFE];
	_ =	sdelay $0x1  }
0x8a: {  	s1 =	srdreg.scid  }
0x8b: {  	s0 =	sand.u32 $0x1, s1  }
0x8c: {  	s14 =	sshll.u32 s0, $0xA;
	s2 =	sadd.s32 s3, s2  }
0x8d: {  	s2 =	sadd.s32 s2, s14  }
0x8e: {  	[smem:$0x3FC5] =	sst s2  }
0x8f: {  	_ = 	snop  }
0x90: {  	s2 =	sld [smem:$0x3FD0];
	_ =	sdelay $0x2  }
0x91: {  	s15 =	simm.s32 $0xA;
	s4 =	simm.s32 $0x10  }
0x92: {  	[smem:s4], [sflag:s15] =	dma.local [hbm:s2], $0x1  }
0x93: {  	_ =	swait.eq [sflag:s15], $0x1  }
0x94: {  	[sflag:s15] =	ssyncset.done $0x0  }
0x95: {  	[sflag:s15] =	ssyncadd.s32 $0xFFFFFFFF  }
0x96: {  	s16 =	sld [smem:$0x11];
	(tm) =	ssettm $0x1  }
0x97: {  	s17 =	sld [smem:$0x3FFB];
	_ =	sdelay $0x3  }
0x98: {  	_ =	strace s17  }
0x99: {  	s3 =	sld [smem:$0x3FFC];
	_ =	sdelay $0x3  }
0x9a: {  	_ =	strace s3  }
0x9b: {  	s3 =	sld [smem:$0x3FFD];
	_ =	sdelay $0x3  }
0x9c: {  	_ =	strace s3  }
0x9d: {  	_ =	strace $0x8FFFFFFF  }
0x9e: {  	s18 =	sld [smem:$0x3FDB];
	_ =	sdelay $0x1  }
0x9f: {  	s19 =	simm.s32 $_scs_section_size  }
0xa0: {  	s5 =	simm.s32 $_size__tile_overlayer_lowered;
	s6 =	simm.s32 $_tile_overlayer_lowered  }
0xa1: {  	s22 =	simm.s32 $0x1BFF;
	s21 =	sshll.u32 s6, $0x1;
	s3 =	sadd.s32 s19, s18  }
0xa2: {  	s7 =	simm.s32 $0x0;
	s20 =	sshll.u32 s5, $0x1;
	s5 =	sadd.s32 s21, s3  }
0xa3: {  	[timem:s7], [sflag:s22] =	dma.local [hbm:s5], s20  }
0xa4: {  	_ =	swait.ge [sflag:s22], s20  }
0xa5: {  	s4 =	ssub.s32 $0x0, s20;
	[sflag:s22] =	ssyncset.done $0x0  }
0xa6: {  	[sflag:s22] =	ssyncadd.s32 s4;
	_ =	sdelay $0x1  }
0xa7: {  	s23 =	simm.s32 $0x1B8B  }
0xa8: {  	_ =	swait.ge [sflag:s23], $0x1  }
0xa9: {  	[sflag:s23] =	ssyncset.done $0x0  }
0xaa: {  	s25 =	simm.s32 $0x1B8E;
	s24 =	sld [smem:$0x3FFE];
	[sflag:s23] =	ssyncadd.s32 $0xFFFFFFFF  }
0xab: {  	s26 =	simm.s32 $execute0_lowered;
	[smem:$0x3FD2] =	sst s25  }
0xac: {  	s5 =	sshll.u32 s26, $0x1;
	_ =	strace $0x80000046;
	[dreg:$0x1] =	wrdreg $0xFFFFFFFF  }
0xad: {  	s28 =	simm.s32 $_size_execute0_lowered;
	s3 =	sadd.s32 s3, s5;
	[dreg:$0x0] =	wrdreg $0x0  }
0xae: {  	s5 =	sshll.u32 s28, $0x1;
	[dreg:$0x2] =	wrdreg s3  }
0xaf: {  	[dreg:$0x3] =	wrdreg s5  }
0xb0: {  	[dreg:$0x4] =	wrdreg $0xC0  }
0xb1: {  	_ =	task [dreg:s7], $0x5FFFF  }
0xb2: {  	[dreg:$0x1] =	wrdreg $0xFFFFFFFF  }
0xb3: {  	[dreg:$0x0] =	wrdreg $0x60  }
0xb4: {  	[dreg:$0x2] =	wrdreg s24  }
0xb5: {  	[dreg:$0x3] =	wrdreg s16  }
0xb6: {  	[dreg:$0x4] =	wrdreg $0x9  }
0xb7: {  	_ =	task.clear_ibuf [dreg:s7], $0x5FFFF;
	_ =	strace $0x90000046  }
0xb8: {  	s29 =	simm.s32 $0x9;
	_ =	strace $0x80000048  }
0xb9: {  	_ =	swait.ge [sflag:s29], $0x1  }
0xba: {  	[sflag:s29] =	ssyncadd.s32 $0xFFFFFFFF  }
0xbb: {  	_ =	strace $0x90000048  }
0xbc: {  	_ =	sfence  }
0xbd: {  	s30 =	sld [smem:$0x0];
	_ =	sdelay $0x2  }
0xbe: {  	s31 =	sshll.u32 s1, $0xD;
	s1 =	sshrl.u32 s1, $0x2  }
0xbf: {  	s3 =	sand.u32 $0x4000, s31;
	s1 =	sadd.s32 s1, s30  }
0xc0: {  	s0 =	sor.u32 s3, s0;
	s1 =	sshll.u32 s1, $0x11  }
0xc1: {  	s0 =	sor.u32 s1, s0  }
0xc2: {  	s0 =	sadd.s32 $0x8F2B, s0  }
0xc3: {  	[sflag:s0] =	ssyncadd.remote.s32 $0x1  }
0xc4: {  	_ =	sfence.sel $0xFFFF  }
0xc5: {  	[dreg:$0x0] =	wrdreg $0xFFFFFFFF;
	(pc) =	sbr.abs _section_cstart, $3  }
0xc6: {  	[dreg:$0x1] =	wrdreg $0xFFFFFFFF  }
0xc7: {  	_ =	task.clear_ibuf [dreg:s7], $0x2FFFF;
	_ =	strace $0x9FFFFFFF  }
0xc8: {  	(tm) =	ssettm $0x7FFFFFFF  }
0xc9: {  	_ =	shalt  }
tec
execute0_lowered:
.L_overlay_start_1:
0x0: {  	(tag) =	ssettag $0x1  }
0x1: {  	s7 =	rddreg [dreg:$0x0]  }
0x2: {  	s2 =	rddreg [dreg:$0x1]  }
0x3: {  	s0 =	rddreg [dreg:$0x2]  }
0x4: {  	s1 =	srdreg.scid;
	_ =	strace $0x80000047;
	s4 =	simm.s32 $0x1  }
0x5: {  	s9 =	simm.s32 $0x3;
	s12 =	simm.s32 $0x0;
	s5 =	sshll.u32 s1, $0x4  }
.Ltmp0:
0x6: {  	s1 =	stileid.u32;
	s5 =	sand.u32 $0x10, s5;
	(pc) =	sbr.rel .LBB2_1-.Ltmp0, $4  }
0x7: {  	s10 =	simm.s32 $0x0;
	s3 =	sadd.s32 $0x1000, s7;
	s6 =	sor.u32 s1, s5  }
0x8: {  	[sflag:s4] =	ssyncpa.u1 $0x0;
	s5 =	simm.s32 $0x2;
	s6 =	sshll.u32 s6, $0x6  }
0x9: {  	s7 =	sadd.s32 $0x4E3000, s7;
	[sflag:s5] =	ssyncpa.u1 $0x0;
	s8 =	sadd.s32 $0x40, s6  }
0xa: {  	vm0 =	vmmov $0xff;
	vm1 =	vcmask $0x3F20;
	[sflag:s9] =	ssyncpa.u1 $0x0;
	s9 =	simm.s32 $0x40;
	s11 =	smov.u32 s6  }
.LBB2_9:
0xb: {  	p0 =	seq.s32 s10, $0x2  }
.Ltmp1:
0xc: {  	_ = 	snop;
	(pc) =	sbr.rel @p0 .LBB2_11-.Ltmp1, $1  }
0xd: {  	_ =	sdelay $0x3  }
.LBB2_10:
0xe: {  	s12 =	sadd.s32 $0x40, s11  }
0xf: {  	s13 =	smov.u32 s6;
	p0 =	slt.s32 s12, s8  }
0x10: {  	s13 =	smov.u32 @p0 s12  }
0x11: {  	s10 =	sadd.s32 $0x1, s10;
	s12 =	smov.u32 s11;
	s11 =	smov.u32 s13  }
.LBB2_1:
0x12: {  	p0 =	sne.s32 s10, $0x0  }
.Ltmp2:
0x13: {  	_ = 	snop;
	(pc) =	sbr.rel @!p0 .LBB2_2-.Ltmp2, $1  }
0x14: {  	_ =	sdelay $0x3  }
0x15: {  	s13 =	sand.u32 $0x1, s10  }
0x16: {  	p0 =	seq.s32 s13, $0x0  }
.Ltmp3:
0x17: {  	_ = 	snop;
	(pc) =	sbr.rel @p0 .LBB2_9-.Ltmp3, $1  }
0x18: {  	_ =	sdelay $0x3  }
0x19: {  	_ =	swait.ge [sflag:s5], $0x40  }
0x1a: {  	[sflag:s5] =	ssyncset.done $0x0  }
0x1b: {  	s13 =	simm.s32 $0x0;
	[sflag:s5] =	ssyncadd.s32 $0xFFFFFFC0  }
0x1c: {  	v0 =	vld.msk [tilespmem:s13+$0x40 ss:$0x1], $0xffff;
	_ =	sdelay $0x4  }
0x1d: {  	v1 =	vand.u32 $0xF, v0;
	v2 =	vshll.u32 v0, $0x3  }
0x1e: {  	vm2 =	veq.s32 v0, $0x80000000;
	v0 =	vmul.u32 $0x271000, v1;
	v1 =	vand.u32 $0x3FFF80, v2  }
0x1f: {  	v1 =	vsel vm2, $0xFFFFFF80, v1  }
0x20: {  	v0 =	vsel vm2, $0xFFD8F000, v0;
	v2 =	vand.u32 $0xFFFFFC00, v1  }
0x21: {  	v1 =	vand.u32 $0x380, v1;
	v0 =	vadd.s32 v0, v2  }
0x22: {  	v0 =	vor.u32 v1, v0  }
0x23: {  	v0 =	vshrl.u32 v0, $0x3;
	_ =	sdelay $0x3  }
0x24: {  	s13 =	simm.s32 $0x2080  }
0x25: {  	[tilespmem:s13], [sflag:$0x1] =	stream.indirect_vreg.gather [hbm:s3], $0x80, v0, vm0, $0x38;
	[tilespmem:$0x4080] =	vst v63  }
0x26: {  	s14 =	simm.s32 $0x2480;
	s31 =	simm.s32 $0x10  }
0x27: {  	[tilespmem:s14], [sflag:$0x1] =	stream.indirect_vreg.gather [hbm:s3], $0x80, v0, vm1, $0x38;
	[tilespmem:$0x4080] =	vst v63  }
0x28: {  	s14 =	simm.s32 $0x80;
	v0 =	vld.msk [tilespmem:s31+$0x40 ss:$0x1], $0xffff  }
.LBB2_5:
0x29: {  	p0 =	sne.s32 s14, $0xC0;
	_ =	sdelay $0x4  }
0x2a: {  	v1 =	vand.u32 $0xF, v0;
	v2 =	vshll.u32 v0, $0x3  }
0x2b: {  	vm2 =	veq.s32 v0, $0x80000000;
	v0 =	vmul.u32 $0x271000, v1;
	v1 =	vand.u32 $0x3FFF80, v2  }
0x2c: {  	v1 =	vsel vm2, $0xFFFFFF80, v1  }
0x2d: {  	v0 =	vsel vm2, $0xFFD8F000, v0;
	v2 =	vand.u32 $0xFFFFFC00, v1  }
0x2e: {  	v1 =	vand.u32 $0x380, v1;
	v0 =	vadd.s32 v0, v2  }
0x2f: {  	v0 =	vor.u32 v1, v0  }
0x30: {  	v0 =	vshrl.u32 v0, $0x3;
	_ =	sdelay $0x3  }
.Ltmp4:
0x31: {  	s13 =	sadd.s32 $0x800, s13;
	(pc) =	sbr.rel @p0 .LBB2_5-.Ltmp4, $4  }
0x32: {  	[tilespmem:s13], [sflag:$0x1] =	stream.indirect_vreg.gather [hbm:s3], $0x80, v0, vm0, $0x38;
	[tilespmem:$0x4080] =	vst v63  }
0x33: {  	s15 =	sshra.s32 s14, $0x2;
	s16 =	sadd.s32 $0x400, s13  }
0x34: {  	[tilespmem:s16], [sflag:$0x1] =	stream.indirect_vreg.gather [hbm:s3], $0x80, v0, vm1, $0x38;
	[tilespmem:$0x4080] =	vst v63  }
0x35: {  	s14 =	sadd.s32 $0x40, s14;
	v0 =	vld.msk [tilespmem:s15+$0x40 ss:$0x1], $0xffff  }
0x36: {  	_ =	sdelay $0x3  }
0x37: {  	v1 =	vand.u32 $0xF, v0;
	v2 =	vshll.u32 v0, $0x3  }
0x38: {  	vm2 =	veq.s32 v0, $0x80000000;
	v61 =	vmul.u32 $0x271000, v1;
	v62 =	vand.u32 $0x3FFF80, v2  }
0x39: {  	v1 =	vsel vm2, $0xFFFFFF80, v62  }
0x3a: {  	v0 =	vsel vm2, $0xFFD8F000, v61;
	v63 =	vand.u32 $0xFFFFFC00, v1  }
0x3b: {  	v1 =	vand.u32 $0x380, v1;
	v0 =	vadd.s32 v0, v63  }
0x3c: {  	v0 =	vor.u32 v1, v0  }
0x3d: {  	v0 =	vshrl.u32 v0, $0x3;
	_ =	sdelay $0x3  }
0x3e: {  	s13 =	sadd.s32 $0x800, s13  }
0x3f: {  	[tilespmem:s13], [sflag:$0x1] =	stream.indirect_vreg.gather [hbm:s3], $0x80, v0, vm0, $0x38;
	[tilespmem:$0x4080] =	vst v63  }
0x40: {  	s13 =	sadd.s32 $0x400, s13  }
0x41: {  	[tilespmem:s13], [sflag:$0x1] =	stream.indirect_vreg.gather [hbm:s3], $0x80, v0, vm1, $0x38;
	[tilespmem:$0x4080] =	vst v63  }
0x42: {  	s12 =	sshll.u32 s12, $0x4;
	s14 =	simm.s32 $0x80;
	_ =	swait.ge [sflag:s4], $0x2000  }
0x43: {  	s15 =	simm.s32 $0x2480;
	s12 =	sadd.s32 s12, s7;
	[sflag:s4] =	ssyncset.done $0x0  }
0x44: {  	s16 =	sadd.s32 $0x0, s12;
	s13 =	simm.s32 $0x2080;
	[sflag:s4] =	ssyncadd.s32 $0xFFFFE000  }
.LBB2_7:
0x45: {  	[hbm:s16] =	stream.linear.scatter [tilespmem:s13], [sflag:$0x3], $0x400, $0x38;
	[tilespmem:$0x4080] =	vst v63  }
0x46: {  	s16 =	smov.u32 s14;
	s13 =	smov.u32 s15;
	p0 =	sne.s32 s14, $0x380  }
.Ltmp5:
0x47: {  	s14 =	sadd.s32 $0x80, s14;
	(pc) =	sbr.rel @p0 .LBB2_7-.Ltmp5, $2  }
0x48: {  	_ =	sdelay $0x2  }
0x49: {  	s15 =	sadd.s32 $0x400, s15;
	s16 =	sadd.s32 s16, s12  }
.Ltmp6:
0x4a: {  	(pc) =	sbr.rel .LBB2_9-.Ltmp6, $2  }
0x4b: {  	_ =	sdelay $0x2  }
0x4c: {  	[hbm:s16] =	stream.linear.scatter [tilespmem:s13], [sflag:$0x3], $0x400, $0x38;
	[tilespmem:$0x4080] =	vst v63  }
.LBB2_2:
.Ltmp7:
0x4d: {  	(pc) =	sbr.rel .LBB2_10-.Ltmp7, $4  }
0x4e: {  	_ = 	snop  }
0x4f: {  	s12 =	sshrl.u32 s11, $0x3  }
0x50: {  	s13 =	sand.u32 $0x7, s11;
	s12 =	sadd.s32 s2, s12  }
0x51: {  	[tilespmem:s9], [sflag:$0x2] =	stream.linear.gather [hbm4b:s12+s13], $0x40, $0x38;
	[tilespmem:$0x4080] =	vst v63  }
.LBB2_11:
0x52: {  	s2 =	simm.s32 $0x3  }
0x53: {  	_ =	swait.ge [sflag:s2], $0x2000  }
0x54: {  	[sflag:s2] =	ssyncset.done $0x0  }
0x55: {  	[sflag:s2] =	ssyncadd.s32 $0xFFFFE000  }
0x56: {  	_ =	sfence.sel $0x180000  }
0x57: {  	s3 =	simm.s32 $0x2;
	[bflag:$0x0] =	sbarrier.arrive $0xFFFF  }
0x58: {  	[sflag:s3] =	ssyncpa.u1 $0x1  }
0x59: {  	s31 =	simm.s32 $0x1;
	[sflag:s2] =	ssyncpa.u1 $0x1  }
0x5a: {  	[sflag:s31] =	ssyncpa.u1 $0x1  }
0x5b: {  	p0 =	sne.s32 s1, $0x0;
	_ =	strace $0x90000047  }
0x5c: {  	s0 =	sadd.s32 @!p0 $0x100000, s0;
	[bflag:$0x2] =	sbarrier.arrive $0xFFFF  }
0x5d: {  	[sflag:s0] =	ssyncadd.tile.s32 @!p0 $0x1;
	_ =	shalt  }
.Lfunc_end2:
_tile_overlayer_lowered:
.L_overlay_start_2:
0x5e: {  	(tag) =	ssettag $0x2  }
0x5f: {  	s0 =	rddreg [dreg:$0x0];
	s2 =	stileid.u32  }
0x60: {  	s1 =	rddreg [dreg:$0x1];
	p0 =	sne.s32 s2, $0x0  }
0x61: {  	s3 =	rddreg [dreg:$0x2];
	[bflag:$0x3] =	sbarrier.arrive $0xFFFF;
	s2 =	simm.s32 @!p0 $0x1C01  }
0x62: {  	[timem:s3], [sflag:s2] =	dma.local @!p0 [hbm:s0], s1  }
0x63: {  	s0 =	simm.s32 @!p0 $0x1  }
0x64: {  	_ =	swait.ge @!p0 [sflag:s0], s1  }
0x65: {  	s1 =	ssub.s32 @!p0 $0x0, s1;
	[sflag:s0] =	ssyncset.done @!p0 $0x0  }
0x66: {  	[sflag:s0] =	ssyncadd.s32 @!p0 s1  }
0x67: {  	[bflag:$0x3] =	sbarrier.arrive $0xFFFF  }
0x68: {  	_ =	shalt  }

// kernel: kernel.7.cloned.1.call-start
scs
__scs_entry_jumppad:
0x0: {  	(pc) =	sbr.rel $0x88, $3  }
0x1: {  	(tag) =	ssettag $0x0;
	lr =	simm.s32 $0x1  }
0x2: {  	[smem:$0x3F9E] =	sst lr;
	_ =	strace $0xD0000000  }
0x3: {  	_ = 	snop  }
0x4: {  	_ = 	snop  }
0x5: {  	_ = 	snop  }
0x6: {  	_ = 	snop  }
0x7: {  	_ = 	snop  }
__scs_overlays_trampoline_lowered:
0x8: {  	[smem:$0x3FAD] =	sst s0  }
0x9: {  	[smem:$0x3FAE] =	sst s1  }
0xa: {  	[smem:$0x3FAF] =	sst s2  }
0xb: {  	[smem:$0x3FB0] =	sst s3  }
0xc: {  	[smem:$0x3FB1] =	sst s4  }
0xd: {  	[smem:$0x3FB2] =	sst s5  }
0xe: {  	[smem:$0x3FB3] =	sst s6  }
0xf: {  	[smem:$0x3FB4] =	sst s7  }
0x10: {  	[smem:$0x3FB5] =	sst s8  }
0x11: {  	[smem:$0x3FB6] =	sst s9;
	s0 =	simm.s32 @!p0 $0x0  }
0x12: {  	s1 =	sld [smem:$0x3F9C];
	s0 =	simm.s32 @p0 $0x1  }
0x13: {  	[smem:$0x3FB7] =	sst s0;
	s0 =	simm.s32 @!p1 $0x0  }
0x14: {  	s2 =	sld [smem:$0x3F9B];
	s0 =	simm.s32 @p1 $0x1  }
0x15: {  	[smem:$0x3FB8] =	sst s0;
	s0 =	simm.s32 @!p2 $0x0  }
0x16: {  	s3 =	sld [smem:$0x3FDB];
	s0 =	simm.s32 @p2 $0x1  }
0x17: {  	s4 =	simm.s32 $0x1BF5;
	[smem:$0x3FBA] =	sst s0  }
0x18: {  	s0 =	sld [smem:$0x3F9D];
	_ =	swait.ge [sflag:s4], $0x0  }
0x19: {  	s7 =	sld [smem:$0x3F9E]  }
0x1a: {  	s8 =	sadd.s32 $0xFFFFE003, lr  }
0x1b: {  	s9 =	sadd.s32 $0xFFFFFEF7, lr;
	s5 =	simm.s32 $0xFFFFFFFF;
	p2 =	slt.u32 s8, $0xFFFFF086  }
0x1c: {  	p1 =	slt.u32 s9, $0xF7A;
	s5 =	simm.s32 @!p2 $0x0  }
0x1d: {  	s5 =	simm.s32 @p1 $0x1;
	p0 =	seq.s32 s7, s2  }
0x1e: {  	s7 =	smul.u32 @!p0 $0xF7A, s2;
	p2 =	seq.s32 @!p0 s5, $0x0  }
0x1f: {  	s9 =	smul.u32 $0xF7A, s1;
	s8 =	simm.s32 @!p0 $0x1BF5;
	p2 =	por !p2, p0  }
0x20: {  	[sflag:s8] =	ssyncset.s32 @!p0 $0xFFFFF086;
	s6 =	sadd.s32 @!p0 s3, s7;
	s7 =	simm.s32 @!p0 $0x108  }
0x21: {  	s3 =	sadd.s32 s3, s9;
	s6 =	sadd.s32 @!p0 $0x88, s6;
	s7 =	simm.s32 @p2 $0x1082  }
0x22: {  	[simem:s7], [sflag:s8] =	dma.local @!p0 [hbm:s6], $0xF7A  }
0x23: {  	s9 =	sor.u32 $0xD0000000, s2;
	s6 =	simm.s32 $0x108;
	_ =	swait.ge @!p0 [sflag:s8], $0x0  }
0x24: {  	s3 =	sadd.s32 $0x88, s3;
	s6 =	simm.s32 @!p1 $0x1082;
	[sflag:s4] =	ssyncset.s32 $0xFFFFF086  }
0x25: {  	[simem:s6], [sflag:s4] =	dma.local [hbm:s3], $0xF7A  }
0x26: {  	[smem:$0x3F9E] =	sst s1;
	(tag) =	ssettag s2;
	_ =	strace s9  }
0x27: {  	s1 =	sld [smem:$0x3FAE]  }
0x28: {  	s2 =	sld [smem:$0x3FAF]  }
0x29: {  	s4 =	sld [smem:$0x3FB1]  }
0x2a: {  	p0 =	seq.s32 s5, $0x0;
	s5 =	sld [smem:$0x3FB2]  }
0x2b: {  	s6 =	sld [smem:$0x3FB3]  }
0x2c: {  	s7 =	sld [smem:$0x3FB4]  }
0x2d: {  	s3 =	simm.s32 $0x108;
	s8 =	sld [smem:$0x3FB5]  }
0x2e: {  	s3 =	simm.s32 @!p0 $0x1082;
	s9 =	sld [smem:$0x3FB6]  }
0x2f: {  	lr =	sadd.s32 s0, s3;
	s0 =	sld [smem:$0x3FAD]  }
0x30: {  	s3 =	sld [smem:$0x3FB0]  }
0x31: {  	[smem:$0x3FB9] =	sst s10  }
0x32: {  	s10 =	sld [smem:$0x3FB7];
	_ =	sdelay $0x3  }
0x33: {  	p0 =	seq.s32 s10, $0x1;
	s10 =	sld [smem:$0x3FB9];
	_ =	sdelay $0x3  }
0x34: {  	[smem:$0x3FB9] =	sst s10  }
0x35: {  	s10 =	sld [smem:$0x3FB8];
	_ =	sdelay $0x3  }
0x36: {  	p1 =	seq.s32 s10, $0x1;
	s10 =	sld [smem:$0x3FB9];
	_ =	sdelay $0x3  }
0x37: {  	[smem:$0x3FB9] =	sst s10  }
0x38: {  	s10 =	sld [smem:$0x3FBA]  }
0x39: {  	_ = 	snop;
	(pc) =	sbr.ind lr, $3  }
0x3a: {  	_ = 	snop  }
0x3b: {  	_ = 	snop  }
0x3c: {  	p2 =	seq.s32 s10, $0x1;
	s10 =	sld [smem:$0x3FB9]  }
0x3d: {  	_ =	shalt  }
0x3e: {  	_ =	shalt  }
0x3f: {  	_ =	shalt  }
0x40: {  	_ =	shalt  }
0x41: {  	_ =	shalt  }
0x42: {  	_ =	shalt  }
0x43: {  	_ =	shalt  }
0x44: {  	_ =	shalt  }
0x45: {  	_ =	shalt  }
0x46: {  	_ =	shalt  }
0x47: {  	_ =	shalt  }
0x48: {  	_ =	shalt  }
0x49: {  	_ =	shalt  }
0x4a: {  	_ =	shalt  }
0x4b: {  	_ =	shalt  }
0x4c: {  	_ =	shalt  }
0x4d: {  	_ =	shalt  }
0x4e: {  	_ =	shalt  }
0x4f: {  	_ =	shalt  }
0x50: {  	_ =	shalt  }
0x51: {  	_ =	shalt  }
0x52: {  	_ =	shalt  }
0x53: {  	_ =	shalt  }
0x54: {  	_ =	shalt  }
0x55: {  	_ =	shalt  }
0x56: {  	_ =	shalt  }
0x57: {  	_ =	shalt  }
0x58: {  	_ =	shalt  }
0x59: {  	_ =	shalt  }
0x5a: {  	_ =	shalt  }
0x5b: {  	_ =	shalt  }
0x5c: {  	_ =	shalt  }
0x5d: {  	_ =	shalt  }
0x5e: {  	_ =	shalt  }
0x5f: {  	_ =	shalt  }
0x60: {  	_ =	shalt  }
0x61: {  	_ =	shalt  }
0x62: {  	_ =	shalt  }
0x63: {  	_ =	shalt  }
0x64: {  	_ =	shalt  }
0x65: {  	_ =	shalt  }
0x66: {  	_ =	shalt  }
0x67: {  	_ =	shalt  }
0x68: {  	_ =	shalt  }
0x69: {  	_ =	shalt  }
0x6a: {  	_ =	shalt  }
0x6b: {  	_ =	shalt  }
0x6c: {  	_ =	shalt  }
0x6d: {  	_ =	shalt  }
0x6e: {  	_ =	shalt  }
0x6f: {  	_ =	shalt  }
0x70: {  	_ =	shalt  }
0x71: {  	_ =	shalt  }
0x72: {  	_ =	shalt  }
0x73: {  	_ =	shalt  }
0x74: {  	_ =	shalt  }
0x75: {  	_ =	shalt  }
0x76: {  	_ =	shalt  }
0x77: {  	_ =	shalt  }
0x78: {  	_ =	shalt  }
0x79: {  	_ =	shalt  }
0x7a: {  	_ =	shalt  }
0x7b: {  	_ =	shalt  }
0x7c: {  	_ =	shalt  }
0x7d: {  	_ =	shalt  }
0x7e: {  	_ =	shalt  }
0x7f: {  	_ =	shalt  }
0x80: {  	_ =	shalt  }
0x81: {  	_ =	shalt  }
0x82: {  	_ =	shalt  }
0x83: {  	_ =	shalt  }
0x84: {  	_ =	shalt  }
0x85: {  	_ =	shalt  }
0x86: {  	_ =	shalt  }
0x87: {  	_ =	shalt  }
.Lfunc_end0:
.L_simem_size_0:
called_computation.1_lowered:
.L_overlay_start_0:
0x88: {  	s2 =	sld [smem:$0x3FD9]  }
0x89: {  	s3 =	sld [smem:$0x3FFE];
	_ =	sdelay $0x1  }
0x8a: {  	s1 =	srdreg.scid  }
0x8b: {  	s0 =	sand.u32 $0x1, s1  }
0x8c: {  	s14 =	sshll.u32 s0, $0xA;
	s2 =	sadd.s32 s3, s2  }
0x8d: {  	s2 =	sadd.s32 s2, s14  }
0x8e: {  	[smem:$0x3FC5] =	sst s2  }
0x8f: {  	_ = 	snop  }
0x90: {  	s2 =	sld [smem:$0x3FD0];
	_ =	sdelay $0x2  }
0x91: {  	s15 =	simm.s32 $0xA;
	s4 =	simm.s32 $0x10  }
0x92: {  	[smem:s4], [sflag:s15] =	dma.local [hbm:s2], $0x1  }
0x93: {  	_ =	swait.eq [sflag:s15], $0x1  }
0x94: {  	s16 =	sld [smem:$0x10];
	[sflag:s15] =	ssyncset.done $0x0  }
0x95: {  	s17 =	sld [smem:$0x11];
	[sflag:s15] =	ssyncadd.s32 $0xFFFFFFFF  }
0x96: {  	s18 =	sld [smem:$0x12];
	(tm) =	ssettm $0x1  }
0x97: {  	s5 =	sld [smem:$0x3FFB];
	_ =	sdelay $0x3  }
0x98: {  	_ =	strace s5  }
0x99: {  	s5 =	sld [smem:$0x3FFC];
	_ =	sdelay $0x3  }
0x9a: {  	_ =	strace s5  }
0x9b: {  	s5 =	sld [smem:$0x3FFD];
	_ =	sdelay $0x3  }
0x9c: {  	_ =	strace s5  }
0x9d: {  	_ =	strace $0x8FFFFFFF  }
0x9e: {  	s19 =	sld [smem:$0x3FDB];
	_ =	sdelay $0x1  }
0x9f: {  	s6 =	simm.s32 $_scs_section_size  }
0xa0: {  	s7 =	simm.s32 $_size__tile_overlayer_lowered;
	s8 =	simm.s32 $_tile_overlayer_lowered  }
0xa1: {  	s22 =	simm.s32 $0x1BFF;
	s21 =	sshll.u32 s8, $0x1;
	s5 =	sadd.s32 s6, s19  }
0xa2: {  	s9 =	simm.s32 $0x0;
	s20 =	sshll.u32 s7, $0x1;
	s7 =	sadd.s32 s21, s5  }
0xa3: {  	[timem:s9], [sflag:s22] =	dma.local [hbm:s7], s20  }
0xa4: {  	_ =	swait.ge [sflag:s22], s20  }
0xa5: {  	s6 =	ssub.s32 $0x0, s20;
	[sflag:s22] =	ssyncset.done $0x0  }
0xa6: {  	[sflag:s22] =	ssyncadd.s32 s6;
	_ =	sdelay $0x1  }
0xa7: {  	s23 =	simm.s32 $0x1B8B  }
0xa8: {  	_ =	swait.ge [sflag:s23], $0x1  }
0xa9: {  	[sflag:s23] =	ssyncset.done $0x0  }
0xaa: {  	s25 =	simm.s32 $0x1B8E;
	s24 =	sld [smem:$0x3FFE];
	[sflag:s23] =	ssyncadd.s32 $0xFFFFFFFF  }
0xab: {  	s26 =	simm.s32 $execute0_lowered;
	[smem:$0x3FD2] =	sst s25  }
0xac: {  	s7 =	sshll.u32 s26, $0x1;
	_ =	strace $0x80000049;
	[dreg:$0x1] =	wrdreg $0xFFFFFFFF  }
0xad: {  	s28 =	simm.s32 $_size_execute0_lowered;
	s5 =	sadd.s32 s5, s7;
	[dreg:$0x0] =	wrdreg $0x0  }
0xae: {  	s7 =	sshll.u32 s28, $0x1;
	[dreg:$0x2] =	wrdreg s5  }
0xaf: {  	[dreg:$0x3] =	wrdreg s7  }
0xb0: {  	[dreg:$0x4] =	wrdreg $0xC0  }
0xb1: {  	_ =	task [dreg:s9], $0x5FFFF  }
0xb2: {  	[dreg:$0x1] =	wrdreg $0xFFFFFFFF  }
0xb3: {  	[dreg:$0x0] =	wrdreg $0x60  }
0xb4: {  	[dreg:$0x2] =	wrdreg s18  }
0xb5: {  	[dreg:$0x3] =	wrdreg s24  }
0xb6: {  	[dreg:$0x4] =	wrdreg s16  }
0xb7: {  	[dreg:$0x5] =	wrdreg s17  }
0xb8: {  	[dreg:$0x6] =	wrdreg $0x9  }
0xb9: {  	_ =	task.clear_ibuf [dreg:s9], $0x7FFFF;
	_ =	strace $0x90000049  }
0xba: {  	s29 =	simm.s32 $0x9;
	_ =	strace $0x8000004B  }
0xbb: {  	_ =	swait.ge [sflag:s29], $0x1  }
0xbc: {  	[sflag:s29] =	ssyncadd.s32 $0xFFFFFFFF  }
0xbd: {  	_ =	strace $0x9000004B  }
0xbe: {  	_ =	sfence  }
0xbf: {  	s30 =	sld [smem:$0x0];
	_ =	sdelay $0x2  }
0xc0: {  	s31 =	sshll.u32 s1, $0xD;
	s1 =	sshrl.u32 s1, $0x2  }
0xc1: {  	s3 =	sand.u32 $0x4000, s31;
	s1 =	sadd.s32 s1, s30  }
0xc2: {  	s0 =	sor.u32 s3, s0;
	s1 =	sshll.u32 s1, $0x11  }
0xc3: {  	s0 =	sor.u32 s1, s0  }
0xc4: {  	s0 =	sadd.s32 $0x8F2B, s0  }
0xc5: {  	[sflag:s0] =	ssyncadd.remote.s32 $0x1  }
0xc6: {  	_ =	sfence.sel $0xFFFF  }
0xc7: {  	[dreg:$0x0] =	wrdreg $0xFFFFFFFF;
	(pc) =	sbr.abs _section_cstart, $3  }
0xc8: {  	[dreg:$0x1] =	wrdreg $0xFFFFFFFF  }
0xc9: {  	_ =	task.clear_ibuf [dreg:s9], $0x2FFFF;
	_ =	strace $0x9FFFFFFF  }
0xca: {  	(tm) =	ssettm $0x7FFFFFFF  }
0xcb: {  	_ =	shalt  }
tec
execute0_lowered:
.L_overlay_start_1:
0x0: {  	(tag) =	ssettag $0x1  }
0x1: {  	s0 =	rddreg [dreg:$0x0]  }
0x2: {  	s1 =	rddreg [dreg:$0x1]  }
0x3: {  	s2 =	rddreg [dreg:$0x2]  }
0x4: {  	s3 =	rddreg [dreg:$0x3];
	s4 =	srdreg.scid  }
0x5: {  	s5 =	stileid.u32;
	s7 =	simm.s32 $0x0;
	s28 =	simm.s32 $0x80  }
0x6: {  	s29 =	simm.s32 $0x40;
	[smem:$0x7FF] =	sst s7;
	s18 =	sadd.s32 $0x9CD000, s1  }
0x7: {  	s4 =	sand.u32 $0x1, s4;
	_ =	strace $0x8000004A;
	[dreg:$0x9] =	wrdreg s18  }
0x8: {  	s5 =	sshll.u32 s5, $0x7;
	s6 =	sshll.u32 s4, $0x6;
	[dreg:$0x6] =	wrdreg s28  }
0x9: {  	s30 =	simm.s32 $0x180;
	[dreg:$0xa] =	wrdreg s29;
	s5 =	sor.u32 s6, s5  }
0xa: {  	s31 =	simm.s32 $0x200;
	[dreg:$0xc] =	wrdreg s30;
	s6 =	sshrl.u32 s5, $0x3  }
0xb: {  	s22 =	ssub.s32 $0x2, s4;
	[dreg:$0xe] =	wrdreg s31;
	s0 =	sadd.s32 s0, s6  }
0xc: {  	s24 =	sshrl.u32 s22, $0x1;
	s21 =	sadd.s32 s2, s6;
	[dreg:$0x5] =	wrdreg s0  }
0xd: {  	v0 =	vimm.s32 $0xECA86420;
	vm0 =	vcmask $0xB08;
	s8 =	sadd.s32 s6, s1;
	s23 =	sadd.s32 s3, s6;
	[dreg:$0xb] =	wrdreg s21  }
0xe: {  	vm1 =	vcmask $0x1310;
	vm2 =	vcmask $0x1B18;
	vm3 =	vcmask $0x300;
	s5 =	sshll.u32 s5, $0x4;
	s19 =	sadd.s32 $0x1000, s8;
	[dreg:$0xd] =	wrdreg s23  }
0xf: {  	vm4 =	vcmask $0x2320;
	vm5 =	vcmask $0x2B28;
	v0 =	vunpack.c.l.s4.s8 v0;
	s1 =	sadd.s32 s5, s1;
	s20 =	sadd.s32 $0x1200, s8;
	[dreg:$0x7] =	wrdreg s19  }
0x10: {  	vm6 =	vcmask $0x3330;
	v1 =	vlaneseq.u32;
	vm7 =	vcmask $0x3B38;
	s26 =	ssub.s32 s22, s24;
	s25 =	sadd.s32 $0x1400, s1;
	[dreg:$0x8] =	wrdreg s20  }
0x11: {  	vm8 =	vmmov $0xff;
	v1 =	vmul.u32 $0x2, v1;
	s4 =	simm.s32 $0x2;
	v0 =	vunpack.c.0.s8.s32 v0;
	s17 =	smax.u32 s26, $0x1;
	[dreg:$0xf] =	wrdreg s25  }
.LBB2_1:
0x12: {  	s0 =	rddreg [dreg:$0x5];
	s2 =	simm.s32 $0x0  }
0x13: {  	[tilespmem:s2], [sflag:$0x2] =	stream.linear.gather [hbm4b:s0+s2], $0x40, $0x38;
	[tilespmem:$0x2280] =	vst v63  }
0x14: {  	_ =	swait.ge [sflag:s4], $0x40  }
0x15: {  	s29 =	rddreg [dreg:$0x6];
	[sflag:s4] =	ssyncset.done $0x0  }
0x16: {  	s1 =	rddreg [dreg:$0x7];
	[sflag:s4] =	ssyncadd.s32 $0xFFFFFFC0  }
0x17: {  	[tilespmem:s29], [sflag:$0x2] =	stream.linear.gather [hbm4b:s1+s2], $0x40, $0x38;
	[tilespmem:$0x2280] =	vst v63  }
0x18: {  	_ =	swait.ge [sflag:s4], $0x40  }
0x19: {  	[sflag:s4] =	ssyncset.done $0x0  }
0x1a: {  	s31 =	simm.s32 $0x100;
	s30 =	rddreg [dreg:$0x8];
	[sflag:s4] =	ssyncadd.s32 $0xFFFFFFC0  }
0x1b: {  	[tilespmem:s31], [sflag:$0x2] =	stream.linear.gather [hbm4b:s30+s2], $0x40, $0x38;
	[tilespmem:$0x2280] =	vst v63  }
0x1c: {  	_ =	swait.ge [sflag:s4], $0x40  }
0x1d: {  	[sflag:s4] =	ssyncset.done $0x0  }
0x1e: {  	[sflag:s4] =	ssyncadd.s32 $0xFFFFFFC0  }
0x1f: {  	v2 =	vld [tilespmem:$0x80];
	_ =	sdelay $0x4  }
0x20: {  	(v2sf) =	vpush v2, $0xD;
	_ =	sdelay $0x1  }
0x21: {  	(v2sf) =	vpush v2, $0xC  }
0x22: {  	(v2sf) =	vpush v2, $0xE;
	_ =	sdelay $0x2  }
0x23: {  	(v2sf) =	vpush v2, $0xF;
	_ =	sdelay $0x1  }
0x24: {  	(v2sf) =	vpush v2, $0x9;
	_ =	sdelay $0x1  }
0x25: {  	(v2sf) =	vpush v2, $0x8;
	_ =	sdelay $0x1  }
0x26: {  	(v2sf) =	vpush v2, $0xA;
	_ =	sdelay $0x1  }
0x27: {  	(v2sf) =	vpush v2, $0xB  }
0x28: {  	s1 =	spop (v2sf)  }
0x29: {  	v5 =	vld [tilespmem:$0x0];
	(v2sf) =	vpush v2, $0x1;
	s5 =	smulhi.u32 $0xB40B40B5, s1;
	s6 =	sshra.s32 s1, $0x1F  }
0x2a: {  	s3 =	spop (v2sf);
	s2 =	smul.u32 $0xB40B40B5, s6  }
0x2b: {  	s7 =	smulhi.u32 $0xB40B40B5, s3;
	s9 =	spop (v2sf)  }
0x2c: {  	(v2sf) =	vpush v2, $0x0;
	s0 =	ssub.s32 s5, s1;
	s5 =	sshra.s32 s3, $0x1F;
	s10 =	smulhi.u32 $0xB40B40B5, s9  }
0x2d: {  	s11 =	sshra.s32 s9, $0x1F;
	s8 =	smul.u32 $0xB40B40B5, s5  }
0x2e: {  	v6 =	vsub.f32 $0.0e+00, v5;
	(v2sf) =	vpush v2, $0x2;
	s13 =	spop (v2sf);
	s12 =	smul.u32 $0xB40B40B5, s11  }
0x2f: {  	s14 =	smulhi.u32 $0xB40B40B5, s13;
	s15 =	sshra.s32 s13, $0x1F  }
0x30: {  	v6 =	vmul.f32 $1.442695020e+00, v6;
	s18 =	sadd.s32 s2, s0;
	s19 =	spop (v2sf);
	s16 =	smul.u32 $0xB40B40B5, s15  }
0x31: {  	(v2sf) =	vpush v2, $0x3;
	s1 =	ssub.s32 s7, s3;
	s2 =	ssub.s32 s10, s9;
	s20 =	smulhi.u32 $0xB40B40B5, s19  }
0x32: {  	(erf) = vpow2.f32 v6;
	s21 =	sshra.s32 s19, $0x1F;
	s23 =	spop (v2sf);
	s30 =	sadd.s32 s8, s1  }
0x33: {  	s31 =	sadd.s32 s12, s2;
	s1 =	ssub.s32 s14, s13;
	s22 =	smul.u32 $0xB40B40B5, s21  }
0x34: {  	s24 =	smulhi.u32 $0xB40B40B5, s23;
	s25 =	sshra.s32 s23, $0x1F;
	s28 =	spop (v2sf)  }
0x35: {  	s0 =	sadd.s32 s16, s1;
	s2 =	ssub.s32 s20, s19;
	s26 =	smul.u32 $0xB40B40B5, s25  }
0x36: {  	s29 =	smulhi.u32 $0xB40B40B5, s28;
	s6 =	sshra.s32 s28, $0x1F;
	s8 =	spop (v2sf)  }
0x37: {  	(v2sf) =	vpush v2, $0x4;
	[dreg:$0x10] =	wrdreg s0;
	s0 =	sadd.s32 s22, s2;
	s7 =	smul.u32 $0xB40B40B5, s6  }
0x38: {  	s9 =	smulhi.u32 $0xB40B40B5, s8;
	s10 =	sshra.s32 s8, $0x1F;
	s12 =	spop (v2sf)  }
0x39: {  	(v2sf) =	vpush v2, $0x5;
	s1 =	ssub.s32 s24, s23;
	[dreg:$0x11] =	wrdreg s0;
	s11 =	smul.u32 $0xB40B40B5, s10  }
0x3a: {  	v3 =	vld [tilespmem:$0x90];
	s0 =	sadd.s32 s26, s1;
	s2 =	ssub.s32 s29, s28;
	s13 =	smulhi.u32 $0xB40B40B5, s12  }
0x3b: {  	v7 =	vpop (erf);
	(v2sf) =	vpush v2, $0x6;
	s14 =	sshra.s32 s12, $0x1F;
	s16 =	spop (v2sf);
	[dreg:$0x14] =	wrdreg s0  }
0x3c: {  	v7 =	vadd.f32 $1.000000000e+00, v7;
	s0 =	sadd.s32 s7, s2;
	s1 =	ssub.s32 s9, s8;
	s15 =	smul.u32 $0xB40B40B5, s14  }
0x3d: {  	v39 =	vld [tilespmem:$0x10];
	(v2sf) =	vpush v2, $0x7;
	v41 =	vmov s30;
	s19 =	smulhi.u32 $0xB40B40B5, s16;
	s20 =	sshra.s32 s16, $0x1F;
	s22 =	spop (v2sf)  }
0x3e: {  	(erf) = vrcp.f32 v7;
	v7 =	vsel vm0, s18, v41;
	[dreg:$0x12] =	wrdreg s0;
	s0 =	sadd.s32 s11, s1;
	s21 =	smul.u32 $0xB40B40B5, s20  }
0x3f: {  	(v2sf) =	vpush v3, $0xD;
	v7 =	vsel vm1, s31, v7;
	s2 =	ssub.s32 s13, s12;
	s23 =	smulhi.u32 $0xB40B40B5, s22;
	s31 =	rddreg [dreg:$0x14]  }
0x40: {  	s24 =	sshra.s32 s22, $0x1F;
	s26 =	spop (v2sf);
	[dreg:$0x13] =	wrdreg s0  }
0x41: {  	(v2sf) =	vpush v3, $0xC;
	s0 =	sadd.s32 s15, s2;
	s1 =	ssub.s32 s19, s16;
	s25 =	smul.u32 $0xB40B40B5, s24  }
0x42: {  	v6 =	vsub.f32 $0.0e+00, v39;
	s29 =	smulhi.u32 $0xB40B40B5, s26;
	s6 =	sshra.s32 s26, $0x1F;
	[dreg:$0x15] =	wrdreg s0  }
0x43: {  	s28 =	sadd.s32 s21, s1;
	s2 =	ssub.s32 s23, s22;
	s7 =	smul.u32 $0xB40B40B5, s6  }
0x44: {  	v6 =	vmul.f32 $1.442695020e+00, v6;
	(v2sf) =	vpush v3, $0xE;
	s0 =	sadd.s32 s25, s2;
	s1 =	ssub.s32 s29, s26;
	s30 =	rddreg [dreg:$0x15]  }
0x45: {  	v40 =	vmov s28;
	[dreg:$0x19] =	wrdreg s0;
	s0 =	sadd.s32 s7, s1  }
0x46: {  	(erf) = vpow2.f32 v6;
	v6 =	vnsel vm3, $0x0, v40;
	[dreg:$0x18] =	wrdreg s0;
	s8 =	spop (v2sf)  }
0x47: {  	(v2sf) =	vpush v3, $0xF;
	v6 =	vsel vm0, s30, v6;
	s30 =	rddreg [dreg:$0x19];
	s9 =	smulhi.u32 $0xB40B40B5, s8;
	s10 =	sshra.s32 s8, $0x1F  }
0x48: {  	s12 =	spop (v2sf);
	s11 =	smul.u32 $0xB40B40B5, s10  }
0x49: {  	v9 =	vmov s31;
	s31 =	rddreg [dreg:$0x18];
	s13 =	smulhi.u32 $0xB40B40B5, s12;
	s14 =	sshra.s32 s12, $0x1F  }
0x4a: {  	v6 =	vsel vm1, s30, v6;
	s19 =	spop (v2sf);
	s15 =	smul.u32 $0xB40B40B5, s14  }
0x4b: {  	v6 =	vsel vm2, s31, v6;
	s31 =	rddreg [dreg:$0x11];
	s20 =	smulhi.u32 $0xB40B40B5, s19;
	s21 =	sshra.s32 s19, $0x1F  }
0x4c: {  	(v2sf) =	vpush v3, $0x9;
	s2 =	ssub.s32 s9, s8;
	s23 =	spop (v2sf);
	s22 =	smul.u32 $0xB40B40B5, s21  }
0x4d: {  	s16 =	sadd.s32 s11, s2;
	s24 =	smulhi.u32 $0xB40B40B5, s23;
	s25 =	sshra.s32 s23, $0x1F  }
0x4e: {  	(v2sf) =	vpush v3, $0x8;
	s1 =	ssub.s32 s13, s12;
	s29 =	spop (v2sf);
	s26 =	smul.u32 $0xB40B40B5, s25  }
0x4f: {  	s0 =	sadd.s32 s15, s1;
	s2 =	ssub.s32 s20, s19;
	s6 =	smulhi.u32 $0xB40B40B5, s29  }
0x50: {  	(v2sf) =	vpush v3, $0xA;
	s7 =	sshra.s32 s29, $0x1F;
	s9 =	spop (v2sf);
	v6 =	vsel vm4, s16, v6;
	s16 =	rddreg [dreg:$0x10]  }
0x51: {  	[dreg:$0x1b] =	wrdreg s0;
	s0 =	sadd.s32 s22, s2;
	s8 =	smul.u32 $0xB40B40B5, s7  }
0x52: {  	(v2sf) =	vpush v3, $0xB;
	s1 =	ssub.s32 s24, s23;
	s10 =	smulhi.u32 $0xB40B40B5, s9;
	v7 =	vsel vm2, s16, v7;
	s16 =	rddreg [dreg:$0x12]  }
0x53: {  	(v2sf) =	vpush v3, $0x1;
	s11 =	sshra.s32 s9, $0x1F;
	s13 =	spop (v2sf);
	[dreg:$0x1d] =	wrdreg s0  }
0x54: {  	v9 =	vsel vm0, s31, v9;
	s0 =	sadd.s32 s26, s1;
	s12 =	smul.u32 $0xB40B40B5, s11;
	s18 =	rddreg [dreg:$0x1b]  }
0x55: {  	s2 =	ssub.s32 s6, s29;
	s14 =	smulhi.u32 $0xB40B40B5, s13;
	v9 =	vsel vm1, s16, v9;
	s16 =	rddreg [dreg:$0x13]  }
0x56: {  	(v2sf) =	vpush v3, $0x0;
	s15 =	sshra.s32 s13, $0x1F;
	s21 =	spop (v2sf);
	[dreg:$0x1e] =	wrdreg s0  }
0x57: {  	s0 =	sadd.s32 s8, s2;
	s1 =	ssub.s32 s10, s9;
	s20 =	smul.u32 $0xB40B40B5, s15  }
0x58: {  	(v2sf) =	vpush v3, $0x2;
	s22 =	smulhi.u32 $0xB40B40B5, s21;
	s23 =	sshra.s32 s21, $0x1F;
	v6 =	vsel vm5, s18, v6;
	s18 =	rddreg [dreg:$0x1d]  }
0x59: {  	[dreg:$0x17] =	wrdreg s0;
	s19 =	sadd.s32 s12, s1;
	s2 =	ssub.s32 s14, s13  }
0x5a: {  	(v2sf) =	vpush v3, $0x3;
	v9 =	vsel vm2, s16, v9;
	s24 =	smul.u32 $0xB40B40B5, s23;
	v10 =	vsel vm6, s18, v6;
	s16 =	rddreg [dreg:$0x1e];
	s0 =	sadd.s32 s20, s2  }
0x5b: {  	s1 =	ssub.s32 s22, s21;
	v10 =	vsel vm7, s16, v10;
	s16 =	rddreg [dreg:$0x17];
	s25 =	spop (v2sf)  }
0x5c: {  	[dreg:$0x1a] =	wrdreg s0;
	s26 =	smulhi.u32 $0xB40B40B5, s25;
	s29 =	sshra.s32 s25, $0x1F  }
0x5d: {  	s0 =	sadd.s32 s24, s1;
	s6 =	spop (v2sf);
	s5 =	smul.u32 $0xB40B40B5, s29  }
0x5e: {  	[dreg:$0x16] =	wrdreg s0;
	(v2sf) =	vpush v3, $0x4;
	s7 =	smulhi.u32 $0xB40B40B5, s6;
	s8 =	sshra.s32 s6, $0x1F  }
0x5f: {  	s10 =	spop (v2sf);
	s9 =	smul.u32 $0xB40B40B5, s8  }
0x60: {  	(v2sf) =	vpush v3, $0x5;
	s2 =	ssub.s32 s26, s25;
	s11 =	smulhi.u32 $0xB40B40B5, s10;
	s12 =	sshra.s32 s10, $0x1F  }
0x61: {  	v4 =	vld [tilespmem:$0xA0];
	s14 =	spop (v2sf);
	s0 =	sadd.s32 s5, s2;
	s13 =	smul.u32 $0xB40B40B5, s12  }
0x62: {  	(v2sf) =	vpush v3, $0x6;
	s15 =	smulhi.u32 $0xB40B40B5, s14;
	s20 =	sshra.s32 s14, $0x1F;
	s22 =	spop (v2sf)  }
0x63: {  	s1 =	ssub.s32 s7, s6;
	[dreg:$0x1c] =	wrdreg s0;
	s21 =	smul.u32 $0xB40B40B5, s20  }
0x64: {  	(v2sf) =	vpush v3, $0x7;
	s0 =	sadd.s32 s9, s1;
	s2 =	ssub.s32 s11, s10;
	s23 =	smulhi.u32 $0xB40B40B5, s22  }
0x65: {  	s24 =	sshra.s32 s22, $0x1F;
	s26 =	spop (v2sf);
	[smem:$0x7FB] =	sst s0  }
0x66: {  	(v2sf) =	vpush v4, $0xD;
	s0 =	sadd.s32 s13, s2;
	s1 =	ssub.s32 s15, s14;
	s25 =	smul.u32 $0xB40B40B5, s24  }
0x67: {  	s29 =	smulhi.u32 $0xB40B40B5, s26;
	s6 =	sshra.s32 s26, $0x1F;
	s8 =	spop (v2sf)  }
0x68: {  	(v2sf) =	vpush v4, $0xC;
	[dreg:$0x1f] =	wrdreg s0;
	s0 =	sadd.s32 s21, s1;
	s7 =	smul.u32 $0xB40B40B5, s6  }
0x69: {  	s9 =	smulhi.u32 $0xB40B40B5, s8;
	s11 =	sshra.s32 s8, $0x1F;
	s13 =	spop (v2sf)  }
0x6a: {  	(v2sf) =	vpush v4, $0xE;
	s2 =	ssub.s32 s23, s22;
	[smem:$0x7FC] =	sst s0;
	s12 =	smul.u32 $0xB40B40B5, s11  }
0x6b: {  	s0 =	sadd.s32 s25, s2;
	s1 =	ssub.s32 s29, s26;
	s14 =	smulhi.u32 $0xB40B40B5, s13  }
0x6c: {  	(v2sf) =	vpush v4, $0xF;
	s15 =	sshra.s32 s13, $0x1F;
	[smem:$0x7F9] =	sst s0;
	s10 =	sadd.s32 s7, s1  }
0x6d: {  	s2 =	ssub.s32 s9, s8;
	s20 =	smul.u32 $0xB40B40B5, s15;
	s21 =	spop (v2sf)  }
0x6e: {  	s0 =	sadd.s32 s12, s2;
	(v2sf) =	vpush v4, $0x9;
	s22 =	smulhi.u32 $0xB40B40B5, s21;
	s23 =	sshra.s32 s21, $0x1F  }
0x6f: {  	s1 =	ssub.s32 s14, s13;
	s25 =	spop (v2sf);
	s24 =	smul.u32 $0xB40B40B5, s23  }
0x70: {  	[smem:$0x7FA] =	sst s0;
	(v2sf) =	vpush v4, $0x8;
	s26 =	smulhi.u32 $0xB40B40B5, s25;
	s29 =	sshra.s32 s25, $0x1F  }
0x71: {  	s15 =	sadd.s32 s20, s1;
	s6 =	spop (v2sf);
	s5 =	smul.u32 $0xB40B40B5, s29  }
0x72: {  	(v2sf) =	vpush v4, $0xA;
	s2 =	ssub.s32 s22, s21;
	s7 =	smulhi.u32 $0xB40B40B5, s6;
	s8 =	sshra.s32 s6, $0x1F  }
0x73: {  	s11 =	spop (v2sf);
	s14 =	sadd.s32 s24, s2;
	s9 =	smul.u32 $0xB40B40B5, s8  }
0x74: {  	(v2sf) =	vpush v4, $0xB;
	s1 =	ssub.s32 s26, s25;
	s20 =	smulhi.u32 $0xB40B40B5, s11;
	s21 =	sshra.s32 s11, $0x1F  }
0x75: {  	s23 =	spop (v2sf);
	s13 =	sadd.s32 s5, s1;
	s22 =	smul.u32 $0xB40B40B5, s21  }
0x76: {  	s2 =	ssub.s32 s7, s6;
	s24 =	smulhi.u32 $0xB40B40B5, s23;
	s25 =	sshra.s32 s23, $0x1F  }
0x77: {  	(v2sf) =	vpush v4, $0x1;
	s29 =	spop (v2sf);
	s12 =	sadd.s32 s9, s2;
	s26 =	smul.u32 $0xB40B40B5, s25  }
0x78: {  	s1 =	ssub.s32 s20, s11;
	s6 =	smulhi.u32 $0xB40B40B5, s29;
	s7 =	sshra.s32 s29, $0x1F  }
0x79: {  	(v2sf) =	vpush v4, $0x0;
	s9 =	spop (v2sf);
	s0 =	sadd.s32 s22, s1;
	s8 =	smul.u32 $0xB40B40B5, s7  }
0x7a: {  	s2 =	ssub.s32 s24, s23;
	s20 =	smulhi.u32 $0xB40B40B5, s9;
	s21 =	sshra.s32 s9, $0x1F  }
0x7b: {  	(v2sf) =	vpush v4, $0x2;
	s23 =	spop (v2sf);
	s11 =	sadd.s32 s26, s2;
	s22 =	smul.u32 $0xB40B40B5, s21  }
0x7c: {  	s1 =	ssub.s32 s6, s29;
	s24 =	smulhi.u32 $0xB40B40B5, s23;
	s25 =	sshra.s32 s23, $0x1F  }
0x7d: {  	(v2sf) =	vpush v4, $0x3;
	s7 =	sadd.s32 s8, s1;
	s26 =	smul.u32 $0xB40B40B5, s25;
	s29 =	spop (v2sf)  }
0x7e: {  	s2 =	ssub.s32 s20, s9;
	s6 =	smulhi.u32 $0xB40B40B5, s29;
	s20 =	sshra.s32 s29, $0x1F  }
0x7f: {  	s9 =	sadd.s32 s22, s2;
	(v2sf) =	vpush v4, $0x4;
	s22 =	spop (v2sf);
	s21 =	smul.u32 $0xB40B40B5, s20  }
0x80: {  	s1 =	ssub.s32 s24, s23;
	s23 =	smulhi.u32 $0xB40B40B5, s22;
	s24 =	sshra.s32 s22, $0x1F  }
0x81: {  	s8 =	sadd.s32 s26, s1;
	(v2sf) =	vpush v4, $0x5;
	s26 =	spop (v2sf);
	s25 =	smul.u32 $0xB40B40B5, s24  }
0x82: {  	v38 =	vld [tilespmem:$0xB0];
	[smem:$0x7FD] =	sst s0;
	s2 =	ssub.s32 s6, s29;
	s29 =	smulhi.u32 $0xB40B40B5, s26  }
0x83: {  	(v2sf) =	vpush v4, $0x6;
	s20 =	spop (v2sf);
	s6 =	sadd.s32 s21, s2;
	s1 =	ssub.s32 s23, s22  }
0x84: {  	s21 =	sshra.s32 s26, $0x1F;
	s23 =	smulhi.u32 $0xB40B40B5, s20;
	s1 =	sadd.s32 s25, s1  }
0x85: {  	(v2sf) =	vpush v4, $0x7;
	s22 =	smul.u32 $0xB40B40B5, s21;
	s2 =	ssub.s32 s29, s26;
	s21 =	sshra.s32 s20, $0x1F  }
0x86: {  	s25 =	spop (v2sf);
	s24 =	smul.u32 $0xB40B40B5, s21;
	s26 =	ssub.s32 s23, s20  }
0x87: {  	(v2sf) =	vpush v38, $0xD;
	s29 =	smulhi.u32 $0xB40B40B5, s25;
	s5 =	sadd.s32 s22, s2;
	s22 =	sshra.s32 s25, $0x1F  }
0x88: {  	s2 =	sadd.s32 s24, s26;
	s23 =	smul.u32 $0xB40B40B5, s22;
	s24 =	spop (v2sf)  }
0x89: {  	s3 =	ssub.s32 s29, s25;
	(v2sf) =	vpush v38, $0xC;
	s25 =	smulhi.u32 $0xB40B40B5, s24;
	s22 =	sshra.s32 s24, $0x1F  }
0x8a: {  	s0 =	sadd.s32 s23, s3;
	s26 =	smul.u32 $0xB40B40B5, s22;
	s23 =	spop (v2sf)  }
0x8b: {  	(v2sf) =	vpush v38, $0xE;
	s20 =	ssub.s32 s25, s24;
	s29 =	smulhi.u32 $0xB40B40B5, s23;
	s24 =	sshra.s32 s23, $0x1F  }
0x8c: {  	s25 =	spop (v2sf);
	s22 =	sadd.s32 s26, s20;
	s24 =	smul.u32 $0xB40B40B5, s24  }
0x8d: {  	s26 =	smulhi.u32 $0xB40B40B5, s25;
	s21 =	ssub.s32 s29, s23;
	s29 =	sshra.s32 s25, $0x1F  }
0x8e: {  	(v2sf) =	vpush v38, $0xF;
	s3 =	sadd.s32 s24, s21;
	s24 =	smul.u32 $0xB40B40B5, s29;
	s29 =	spop (v2sf)  }
0x8f: {  	s20 =	ssub.s32 s26, s25;
	s26 =	smulhi.u32 $0xB40B40B5, s29;
	s25 =	sshra.s32 s29, $0x1F  }
0x90: {  	(v2sf) =	vpush v38, $0x9;
	s20 =	sadd.s32 s24, s20;
	s21 =	smul.u32 $0xB40B40B5, s25;
	s25 =	spop (v2sf)  }
0x91: {  	s23 =	ssub.s32 s26, s29;
	s29 =	smulhi.u32 $0xB40B40B5, s25;
	s26 =	sshra.s32 s25, $0x1F  }
0x92: {  	s21 =	sadd.s32 s21, s23;
	s23 =	smul.u32 $0xB40B40B5, s26;
	s26 =	spop (v2sf)  }
0x93: {  	(v2sf) =	vpush v38, $0x8;
	s24 =	ssub.s32 s29, s25;
	s25 =	smulhi.u32 $0xB40B40B5, s26;
	s29 =	sshra.s32 s26, $0x1F  }
0x94: {  	s28 =	sadd.s32 s23, s24;
	s23 =	smul.u32 $0xB40B40B5, s29;
	s24 =	spop (v2sf)  }
0x95: {  	s25 =	ssub.s32 s25, s26;
	s26 =	smulhi.u32 $0xB40B40B5, s24;
	s29 =	sshra.s32 s24, $0x1F  }
0x96: {  	(v2sf) =	vpush v38, $0xA;
	s23 =	sadd.s32 s23, s25;
	s25 =	smul.u32 $0xB40B40B5, s29;
	s29 =	spop (v2sf)  }
0x97: {  	s24 =	ssub.s32 s26, s24;
	s26 =	smulhi.u32 $0xB40B40B5, s29;
	s30 =	sshra.s32 s29, $0x1F  }
0x98: {  	(v2sf) =	vpush v38, $0xB;
	s24 =	sadd.s32 s25, s24;
	s25 =	smul.u32 $0xB40B40B5, s30;
	s30 =	spop (v2sf)  }
0x99: {  	s26 =	ssub.s32 s26, s29;
	s29 =	smulhi.u32 $0xB40B40B5, s30;
	s31 =	sshra.s32 s30, $0x1F  }
0x9a: {  	(v2sf) =	vpush v38, $0x1;
	s25 =	sadd.s32 s25, s26;
	s26 =	smul.u32 $0xB40B40B5, s31;
	s31 =	spop (v2sf)  }
0x9b: {  	v8 =	vld [tilespmem:$0x20];
	v11 =	vmov s19;
	s29 =	ssub.s32 s29, s30;
	s30 =	smulhi.u32 $0xB40B40B5, s31;
	s18 =	sshra.s32 s31, $0x1F  }
0x9c: {  	v11 =	vsel vm0, s16, v11;
	s16 =	rddreg [dreg:$0x1a];
	(v2sf) =	vpush v38, $0x0;
	s19 =	sadd.s32 s26, s29;
	s18 =	smul.u32 $0xB40B40B5, s18  }
0x9d: {  	v13 =	vmov s10;
	s26 =	spop (v2sf);
	s10 =	ssub.s32 s30, s31;
	s31 =	sld [smem:$0x7F9]  }
0x9e: {  	v11 =	vsel vm1, s16, v11;
	s16 =	sld [smem:$0x7FA];
	(v2sf) =	vpush v38, $0x2;
	s29 =	smulhi.u32 $0xB40B40B5, s26;
	s30 =	sshra.s32 s26, $0x1F  }
0x9f: {  	v42 =	vpop (erf);
	v13 =	vnsel vm3, $0x0, v13;
	(v2sf) =	vpush v38, $0x3;
	s10 =	sadd.s32 s18, s10;
	s18 =	smul.u32 $0xB40B40B5, s30;
	s30 =	spop (v2sf)  }
0xa0: {  	v8 =	vsub.f32 $0.0e+00, v8;
	v12 =	vpop (erf);
	s26 =	ssub.s32 s29, s26;
	s29 =	smulhi.u32 $0xB40B40B5, s30;
	v13 =	vsel vm0, s31, v13;
	s31 =	sshra.s32 s30, $0x1F  }
0xa1: {  	v12 =	vadd.f32 $1.000000000e+00, v12;
	v43 =	vsel vm1, s16, v13;
	s16 =	sadd.s32 s18, s26;
	s18 =	smul.u32 $0xB40B40B5, s31  }
0xa2: {  	v8 =	vmul.f32 $1.442695020e+00, v8;
	s26 =	spop (v2sf);
	s31 =	sld [smem:$0x7FB]  }
0xa3: {  	(erf) = vrcp.f32 v12;
	v12 =	vsel vm2, s15, v43;
	s15 =	ssub.s32 s29, s30;
	s29 =	smulhi.u32 $0xB40B40B5, s26;
	s30 =	sshra.s32 s26, $0x1F  }
0xa4: {  	v14 =	vld [tilespmem:$0x30];
	(erf) = vpow2.f32 v8;
	(v2sf) =	vpush v38, $0x4;
	v12 =	vsel vm4, s14, v12;
	s14 =	sadd.s32 s18, s15;
	s15 =	smul.u32 $0xB40B40B5, s30  }
0xa5: {  	s18 =	spop (v2sf);
	v44 =	vmov s31;
	s31 =	rddreg [dreg:$0x16];
	v12 =	vsel vm5, s13, v12;
	s13 =	ssub.s32 s29, s26  }
0xa6: {  	(v2sf) =	vpush v38, $0x5;
	s26 =	smulhi.u32 $0xB40B40B5, s18;
	s29 =	sshra.s32 s18, $0x1F;
	v11 =	vsel vm2, s31, v11;
	s31 =	rddreg [dreg:$0x1c]  }
0xa7: {  	v45 =	vmov s22;
	v12 =	vsel vm6, s12, v12;
	s12 =	sadd.s32 s15, s13;
	s22 =	smul.u32 $0xB40B40B5, s29;
	s15 =	spop (v2sf)  }
0xa8: {  	(v2sf) =	vpush v38, $0x6;
	s29 =	sld [smem:$0x7FD];
	s30 =	ssub.s32 s26, s18;
	s18 =	smulhi.u32 $0xB40B40B5, s15  }
0xa9: {  	v14 =	vsub.f32 $0.0e+00, v14;
	v15 =	vmov s7;
	v8 =	vsel vm0, s31, v44;
	s31 =	rddreg [dreg:$0x1f];
	s7 =	sadd.s32 s22, s30;
	s30 =	spop (v2sf)  }
0xaa: {  	v13 =	vnsel vm3, $0x0, v45;
	(v2sf) =	vpush v38, $0x7;
	v8 =	vsel vm1, s31, v8;
	s31 =	sld [smem:$0x7FC];
	s13 =	ssub.s32 s18, s15;
	s18 =	sshra.s32 s30, $0x1F  }
0xab: {  	v14 =	vmul.f32 $1.442695020e+00, v14;
	v7 =	vcombine.low v9, v7;
	v13 =	vsel vm0, s0, v13;
	s22 =	spop (v2sf);
	s26 =	smul.u32 $0xB40B40B5, s18  }
0xac: {  	v17 =	vpop (erf);
	v15 =	vsel vm0, s11, v15;
	v13 =	vsel vm1, s3, v13;
	v12 =	vsel vm7, s29, v12;
	s29 =	smulhi.u32 $0xB40B40B5, s22  }
0xad: {  	v18 =	vpop (erf);
	v15 =	vsel vm1, s9, v15;
	v13 =	vsel vm2, s20, v13;
	s9 =	spop (v2sf);
	v8 =	vsel vm2, s31, v8;
	s31 =	sshra.s32 s15, $0x1F;
	s15 =	smulhi.u32 $0xB40B40B5, s30  }
0xae: {  	v18 =	vadd.f32 $1.000000000e+00, v18;
	v7 =	vperm.xlane v7, v0;
	v13 =	vsel vm4, s21, v13;
	s18 =	spop (v2sf);
	s31 =	smul.u32 $0xB40B40B5, s31  }
0xaf: {  	v10 =	vperm.xlane v10, v1;
	v19 =	vmov s19;
	v13 =	vsel vm5, s28, v13;
	s19 =	smulhi.u32 $0xB40B40B5, s18;
	s20 =	sshra.s32 s18, $0x1F  }
0xb0: {  	(erf) = vrcp.f32 v18;
	v13 =	vsel vm6, s23, v13;
	s3 =	ssub.s32 s15, s30;
	s30 =	sshra.s32 s22, $0x1F;
	s23 =	smul.u32 $0xB40B40B5, s20  }
0xb1: {  	(erf) = vpow2.f32 v14;
	v7 =	vsel vm8, v10, v7;
	v16 =	vmov s1;
	s1 =	ssub.s32 s29, s22;
	s15 =	sshra.s32 s9, $0x1F;
	s11 =	smul.u32 $0xB40B40B5, s30  }
0xb2: {  	v7 =	vadd.s32 v2, v7;
	v16 =	vsel vm0, s6, v16;
	s0 =	sadd.s32 s31, s13;
	s31 =	sadd.s32 s26, s3;
	s13 =	smulhi.u32 $0xB40B40B5, s9  }
0xb3: {  	v15 =	vsel vm2, s8, v15;
	v16 =	vsel vm1, s5, v16;
	v19 =	vsel vm0, s25, v19;
	s8 =	smul.u32 $0xB40B40B5, s15;
	s22 =	spop (v2sf);
	s1 =	sadd.s32 s11, s1  }
0xb4: {  	v49 =	vmov s12;
	v46 =	vsel vm7, s24, v13;
	s5 =	ssub.s32 s19, s18;
	s24 =	smulhi.u32 $0xB40B40B5, s22;
	s25 =	sshra.s32 s22, $0x1F;
	v48 =	vmov s1  }
0xb5: {  	v52 =	vshrl.u32 v7, $0x1F;
	v18 =	vsel vm0, s14, v49;
	s26 =	sadd.s32 s23, s5;
	s29 =	smul.u32 $0xB40B40B5, s25;
	s28 =	spop (v2sf);
	v14 =	vnsel vm3, $0x0, v48  }
0xb6: {  	v7 =	vshra.s32 v7, $0x6;
	v50 =	vsel vm1, s7, v18;
	s3 =	ssub.s32 s13, s9;
	s7 =	sshra.s32 s28, $0x1F;
	v14 =	vsel vm0, s31, v14;
	s31 =	smulhi.u32 $0xB40B40B5, s28  }
0xb7: {  	v7 =	vadd.s32 v52, v7;
	s21 =	sadd.s32 s8, s3;
	s9 =	spop (v2sf);
	s6 =	smul.u32 $0xB40B40B5, s7  }
0xb8: {  	v16 =	vsel vm2, s2, v16;
	v47 =	vsel vm1, s10, v19;
	v8 =	vcombine.low v8, v11;
	s30 =	ssub.s32 s24, s22;
	s11 =	smulhi.u32 $0xB40B40B5, s9;
	s12 =	sshra.s32 s9, $0x1F  }
0xb9: {  	v53 =	vpop (erf);
	v15 =	vcombine.low v16, v15;
	v13 =	vsel vm2, s16, v47;
	s1 =	sadd.s32 s29, s30;
	v51 =	vsel vm1, s21, v14;
	s14 =	smul.u32 $0xB40B40B5, s12;
	s15 =	spop (v2sf)  }
0xba: {  	v55 =	vpop (erf);
	v12 =	vperm.xlane v12, v1;
	v8 =	vperm.xlane v8, v0;
	v10 =	vsel vm2, s26, v51;
	s10 =	ssub.s32 s31, s28;
	s16 =	smulhi.u32 $0xB40B40B5, s15;
	s18 =	sshra.s32 s15, $0x1F  }
0xbb: {  	v56 =	vadd.f32 $1.000000000e+00, v55;
	v57 =	vperm.xlane v15, v0;
	v10 =	vsel vm4, s1, v10;
	s13 =	sadd.s32 s6, s10;
	s3 =	ssub.s32 s11, s9;
	s1 =	smul.u32 $0xB40B40B5, s18  }
0xbc: {  	v11 =	vsel vm2, s0, v50;
	v8 =	vsel vm8, v12, v8;
	v10 =	vsel vm5, s13, v10;
	s2 =	sadd.s32 s14, s3;
	s0 =	ssub.s32 s16, s15  }
0xbd: {  	v11 =	vcombine.low v11, v13;
	v8 =	vadd.s32 v3, v8;
	v10 =	vsel vm6, s2, v10;
	s0 =	sadd.s32 s1, s0  }
0xbe: {  	v9 =	vperm.xlane v46, v1;
	v54 =	vshrl.u32 v8, $0x1F;
	v10 =	vsel vm7, s0, v10  }
0xbf: {  	v8 =	vshra.s32 v8, $0x6;
	v11 =	vperm.xlane v11, v0;
	v10 =	vperm.xlane v10, v1  }
0xc0: {  	v7 =	vmul.u32 $0x5B, v7;
	(erf) = vrcp.f32 v56;
	v8 =	vadd.s32 v54, v8  }
0xc1: {  	v9 =	vsel vm8, v9, v57;
	v58 =	vmul.u32 $0x5B, v8;
	v60 =	vsel vm8, v10, v11  }
0xc2: {  	v2 =	vsub.s32 v2, v7;
	v59 =	vadd.s32 v4, v9;
	v62 =	vadd.s32 v38, v60  }
0xc3: {  	[tilespmem:$0x200] =	vst v2;
	v2 =	vsub.s32 v3, v58;
	v63 =	vshrl.u32 v62, $0x1F;
	v7 =	vshra.s32 v62, $0x6  }
0xc4: {  	v61 =	vshrl.u32 v59, $0x1F;
	v8 =	vshra.s32 v59, $0x6;
	[tilespmem:$0x210] =	vst v2;
	v2 =	vadd.s32 v63, v7  }
0xc5: {  	v3 =	vadd.s32 v61, v8;
	v2 =	vmul.u32 $0x5B, v2  }
0xc6: {  	[tilespmem:$0x180] =	vst v42;
	v3 =	vmul.u32 $0x5B, v3  }
0xc7: {  	[tilespmem:$0x190] =	vst v17;
	v2 =	vsub.s32 v38, v2  }
0xc8: {  	[tilespmem:$0x1A0] =	vst v53;
	v3 =	vsub.s32 v4, v3  }
0xc9: {  	s20 =	rddreg [dreg:$0xa];
	[tilespmem:$0x220] =	vst v3  }
0xca: {  	s19 =	rddreg [dreg:$0x9];
	[tilespmem:$0x230] =	vst v2;
	v2 =	vpop (erf)  }
0xcb: {  	s23 =	simm.s32 $0x1;
	s22 =	simm.s32 $0x100;
	s21 =	simm.s32 $0x280;
	[tilespmem:$0x1B0] =	vst v2  }
0xcc: {  	[tilespmem:s21], [sflag:$0x1] =	stream.indirect.gather [hbm4b:s19+s20], $0x80, s22, s20, $0xb8;
	[tilespmem:$0x2280] =	vst v63  }
0xcd: {  	_ =	swait.ge [sflag:s23], $0x2000  }
0xce: {  	s24 =	rddreg [dreg:$0xb];
	[sflag:s23] =	ssyncset.done $0x0  }
0xcf: {  	s26 =	simm.s32 $0x0;
	s25 =	rddreg [dreg:$0xc];
	[sflag:s23] =	ssyncadd.s32 $0xFFFFE000  }
0xd0: {  	[hbm4b:s24+s26] =	stream.linear.scatter [tilespmem:s25], [sflag:$0x2], $0x40, $0x38;
	[tilespmem:$0x2280] =	vst v63  }
0xd1: {  	_ =	swait.ge [sflag:s4], $0x40  }
0xd2: {  	s28 =	rddreg [dreg:$0xd];
	[sflag:s4] =	ssyncset.done $0x0  }
0xd3: {  	s29 =	rddreg [dreg:$0xe];
	[sflag:s4] =	ssyncadd.s32 $0xFFFFFFC0  }
0xd4: {  	[hbm4b:s28+s26] =	stream.linear.scatter [tilespmem:s29], [sflag:$0x2], $0x40, $0x38;
	[tilespmem:$0x2280] =	vst v63  }
0xd5: {  	_ =	swait.ge [sflag:s4], $0x40  }
0xd6: {  	p0 =	sne.s32 s17, $0x1;
	s30 =	simm.s32 $0x0;
	[sflag:s4] =	ssyncset.done $0x0  }
.Ltmp0:
0xd7: {  	s31 =	rddreg [dreg:$0xf];
	[sflag:s4] =	ssyncadd.s32 $0xFFFFFFC0;
	(pc) =	sbr.rel @p0 .LBB2_1-.Ltmp0, $4  }
0xd8: {  	[hbm4b:s31+s30] =	stream.linear.scatter [tilespmem:s21], [sflag:$0x2], $0x2000, $0x38;
	[tilespmem:$0x2280] =	vst v63  }
0xd9: {  	_ =	swait.ge [sflag:s4], $0x2000  }
0xda: {  	[sflag:s4] =	ssyncset.done $0x0  }
0xdb: {  	s17 =	sadd.s32 $0xFFFFFFFF, s17;
	[sflag:s4] =	ssyncadd.s32 $0xFFFFE000  }
0xdc: {  	_ =	sfence.sel $0x180000  }
0xdd: {  	[bflag:$0x0] =	sbarrier.arrive $0xFFFF  }
0xde: {  	_ =	strace $0x9000004A  }
0xdf: {  	s0 =	stileid.u32;
	[bflag:$0x2] =	sbarrier.arrive $0xFFFF  }
0xe0: {  	p0 =	sne.s32 s0, $0x0;
	s0 =	rddreg [dreg:$0x4]  }
0xe1: {  	s0 =	sadd.s32 @!p0 $0x100000, s0  }
0xe2: {  	[sflag:s0] =	ssyncadd.tile.s32 @!p0 $0x1;
	_ =	shalt  }
.Lfunc_end2:
_tile_overlayer_lowered:
.L_overlay_start_2:
0xe3: {  	(tag) =	ssettag $0x2  }
0xe4: {  	s0 =	rddreg [dreg:$0x0];
	s2 =	stileid.u32  }
0xe5: {  	s1 =	rddreg [dreg:$0x1];
	p0 =	sne.s32 s2, $0x0  }
0xe6: {  	s3 =	rddreg [dreg:$0x2];
	[bflag:$0x3] =	sbarrier.arrive $0xFFFF;
	s2 =	simm.s32 @!p0 $0x1C02  }
0xe7: {  	[timem:s3], [sflag:s2] =	dma.local @!p0 [hbm:s0], s1  }
0xe8: {  	s0 =	simm.s32 @!p0 $0x2  }
0xe9: {  	_ =	swait.ge @!p0 [sflag:s0], s1  }
0xea: {  	s1 =	ssub.s32 @!p0 $0x0, s1;
	[sflag:s0] =	ssyncset.done @!p0 $0x0  }
0xeb: {  	[sflag:s0] =	ssyncadd.s32 @!p0 s1  }
0xec: {  	[bflag:$0x3] =	sbarrier.arrive $0xFFFF  }
0xed: {  	_ =	shalt  }

</sc_bundles>
